<compile_context>
chip_gen: v7x
topology: tpu7x:2x2x1
jax: 0.10.2.dev20260603
libtpu: 0.0.44.dev20260713+nightly
codegen_flags: <defaults>
</compile_context>

<pallas_src>
import functools

import jax
import jax.numpy as jnp
from jax import lax
from jax.experimental import pallas as pl
from jax.experimental.pallas import tpu as pltpu
from jax.experimental.pallas import tpu_sc as plsc

_NC = 2
_NS = 16
_L = 16
_NW = _NC * _NS

_LOG1P_COEFFS = (
    -0.017208061121084715,
    0.08172680837495,
    -0.18878267362071732,
    0.31459053537083104,
    -0.49697791116761014,
    0.999792435728606,
    3.5075520536942406e-06,
)


def _log1p_poly(u):
    acc = jnp.float32(_LOG1P_COEFFS[0]) * u
    for c in _LOG1P_COEFFS[1:-1]:
        acc = (acc + jnp.float32(c)) * u
    return acc + jnp.float32(_LOG1P_COEFFS[-1])


def _scores_body(d, z_ref, w_ref, b_ref, s1_ref, s2_ref):
    zb = z_ref[...]
    s1_ref[...] = jnp.sum(zb * w_ref[:, :d], axis=1) + b_ref[0]
    s2_ref[...] = jnp.sum(zb * w_ref[:, d:], axis=1)


def _node_scores(z, W, b):
    n, d = z.shape
    blk = 2048
    grid = (n + blk - 1) // blk
    s1, s2 = pl.pallas_call(
        functools.partial(_scores_body, d),
        grid=(grid,),
        in_specs=[
            pl.BlockSpec((blk, d), lambda i: (i, 0)),
            pl.BlockSpec((1, 2 * d), lambda i: (0, 0)),
            pl.BlockSpec(memory_space=pltpu.SMEM),
        ],
        out_specs=[
            pl.BlockSpec((blk,), lambda i: (i,)),
            pl.BlockSpec((blk,), lambda i: (i,)),
        ],
        out_shape=[
            jax.ShapeDtypeStruct((n,), jnp.float32),
            jax.ShapeDtypeStruct((n,), jnp.float32),
        ],
    )(z, W, b)
    return s1, s2


def _weighted_softplus(s1_v, s2_v, i0, i1, j0, j1, wa, wb):
    x = plsc.load_gather(s1_v, [i0]) + plsc.load_gather(s2_v, [i1])
    y = plsc.load_gather(s1_v, [j0]) + plsc.load_gather(s2_v, [j1])
    spx = jnp.maximum(-x, 0.0) + _log1p_poly(jnp.exp(-jnp.abs(x)))
    spy = jnp.maximum(y, 0.0) + _log1p_poly(jnp.exp(-jnp.abs(y)))
    return wa * spx, wb * spy


_TILE = 128


def _edge_loss_body(ch, e, xb0, s1_hbm, s2_hbm, pos_hbm, neg_hbm, w1_hbm,
                    w2_hbm, out_hbm, s1_v, s2_v, pos_v, neg_v,
                    w1_v, w2_v, acc_v, sem):
    wid = lax.axis_index("s") * _NC + lax.axis_index("c")
    base = wid * ch
    copies = [
        pltpu.async_copy(s1_hbm, s1_v.at[pl.ds(0, s1_hbm.shape[0])], sem),
        pltpu.async_copy(s2_hbm, s2_v.at[pl.ds(0, s2_hbm.shape[0])], sem),
        pltpu.async_copy(pos_hbm.at[:, pl.ds(base, ch)],
                         pos_v.at[:, pl.ds(0, ch)], sem),
        pltpu.async_copy(neg_hbm.at[:, pl.ds(base, ch)],
                         neg_v.at[:, pl.ds(0, ch)], sem),
        pltpu.async_copy(w1_hbm.at[pl.ds(base, ch)],
                         w1_v.at[pl.ds(0, ch)], sem),
        pltpu.async_copy(w2_hbm.at[pl.ds(base, ch)],
                         w2_v.at[pl.ds(0, ch)], sem),
    ]
    @pl.when(wid < 2)
    def _():
        xb = xb0 + wid * _TILE
        pltpu.sync_copy(pos_hbm.at[:, pl.ds(xb, _TILE)],
                        pos_v.at[:, pl.ds(ch, _TILE)])
        pltpu.sync_copy(neg_hbm.at[:, pl.ds(xb, _TILE)],
                        neg_v.at[:, pl.ds(ch, _TILE)])
        pltpu.sync_copy(w1_hbm.at[pl.ds(xb, _TILE)],
                        w1_v.at[pl.ds(ch, _TILE)])
        pltpu.sync_copy(w2_hbm.at[pl.ds(xb, _TILE)],
                        w2_v.at[pl.ds(ch, _TILE)])

    for c in copies:
        c.wait()

    def terms(off):
        return _weighted_softplus(
            s1_v, s2_v,
            pos_v[0, pl.ds(off, _L)], pos_v[1, pl.ds(off, _L)],
            neg_v[0, pl.ds(off, _L)], neg_v[1, pl.ds(off, _L)],
            w1_v[pl.ds(off, _L)], w2_v[pl.ds(off, _L)])

    z16 = jnp.zeros((_L,), jnp.float32)

    def _accs_body(i, accs):
        ax0, ay0, ax1, ay1 = accs
        tx0, ty0 = terms(2 * i * _L)
        tx1, ty1 = terms((2 * i + 1) * _L)
        return ax0 + tx0, ay0 + ty0, ax1 + tx1, ay1 + ty1

    accs = plsc.parallel_loop(
        0, ch // (2 * _L), unroll=2, carry=(z16, z16, z16, z16))(_accs_body)

    nxp = jnp.where(wid < 2, (ch + _TILE) // (2 * _L), ch // (2 * _L))
    ax0, ay0, ax1, ay1 = plsc.parallel_loop(
        ch // (2 * _L), nxp, carry=accs)(_accs_body)
    acc = (ax0 + ay0) + (ax1 + ay1)
    acc_v[...] = acc
    pltpu.sync_copy(acc_v, out_hbm.at[wid])


def _edge_loss_partials(s1, s2, pos, neg, w1, w2):
    n_nodes = s1.shape[0]
    e = pos.shape[1]
    n_tiles = e // _TILE
    tiles_per_w = n_tiles // _NW
    ch = tiles_per_w * _TILE
    xb0 = _NW * ch
    assert e % _TILE == 0 and ch % (2 * _L) == 0
    assert e - xb0 <= 2 * _TILE
    mesh = plsc.VectorSubcoreMesh(core_axis_name="c", subcore_axis_name="s")
    fn = functools.partial(
        pl.kernel,
        mesh=mesh,
        compiler_params=pltpu.CompilerParams(needs_layout_passes=False),
        out_type=jax.ShapeDtypeStruct((_NW, _L), jnp.float32),
        scratch_types=[
            pltpu.VMEM((n_nodes,), jnp.float32),
            pltpu.VMEM((n_nodes,), jnp.float32),
            pltpu.VMEM((2, ch + _TILE), jnp.int32),
            pltpu.VMEM((2, ch + _TILE), jnp.int32),
            pltpu.VMEM((ch + _TILE,), jnp.float32),
            pltpu.VMEM((ch + _TILE,), jnp.float32),
            pltpu.VMEM((_L,), jnp.float32),
            pltpu.SemaphoreType.DMA,
        ],
    )(functools.partial(_edge_loss_body, ch, e, xb0))
    return fn(s1, s2, pos, neg, w1, w2)


def kernel(z, pos_edge_index, neg_edge_index, edge_w1, edge_w2, W, b):
    n, d = z.shape
    e = pos_edge_index.shape[1]

    s1, s2 = _node_scores(z, W, b)

    pos = pos_edge_index.astype(jnp.int32)
    neg = neg_edge_index.astype(jnp.int32)
    w1 = lax.squeeze(edge_w1, [1])
    w2 = lax.squeeze(edge_w2, [1])

    partials = _edge_loss_partials(s1, s2, pos, neg, w1, w2)
    return jnp.sum(partials) / jnp.float32(e)

# --- scband reference (transcript-rebuilt; emitter-appended) ---
"""Pipeline reference for scband-sign-triangle-loss-10462540333354 (READ-ONLY COPY).

The authoritative reference and input builder live on the scoring server;
editing this copy changes nothing except your own understanding.
"""

import jax, jax.numpy as jnp
import numpy as np

N_NODES = 10000
E = 160000
D = 256

def setup_inputs(seed: int = 0) -> dict:
    key = jax.random.key(seed)
    k1, k2, k3, k4, k5, k6 = jax.random.split(key, 6)
    z = jax.random.normal(k1, (N_NODES, D), dtype=jnp.float32)
    pos_edge_index = jax.random.randint(k2, (2, E), 0, N_NODES, dtype=jnp.int64)
    neg_edge_index = jax.random.randint(k3, (2, E), 0, N_NODES, dtype=jnp.int64)
    # per-edge weights gathered from the sparse edge_weight csc matrix in the
    # original module; materialized here directly as dense per-edge vectors
    edge_w1 = jax.random.uniform(k4, (E, 1), dtype=jnp.float32)
    edge_w2 = jax.random.uniform(k5, (E, 1), dtype=jnp.float32)
    # nn.Linear(2*D, 1) parameters
    bound = 1.0 / np.sqrt(2 * D)
    kW, kb = jax.random.split(k6)
    W = jax.random.uniform(kW, (1, 2 * D), dtype=jnp.float32, minval=-bound, maxval=bound)
    b = jax.random.uniform(kb, (1,), dtype=jnp.float32, minval=-bound, maxval=bound)
    return {"z": z, "pos_edge_index": pos_edge_index, "neg_edge_index": neg_edge_index,
            "edge_w1": edge_w1, "edge_w2": edge_w2, "W": W, "b": b}

def reference(z, pos_edge_index, neg_edge_index, edge_w1, edge_w2, W, b):
    z_11 = jnp.take(z, pos_edge_index[0], axis=0)
    z_12 = jnp.take(z, pos_edge_index[1], axis=0)
    z_21 = jnp.take(z, neg_edge_index[0], axis=0)
    z_22 = jnp.take(z, neg_edge_index[1], axis=0)
    rs1 = jnp.concatenate([z_11, z_12], axis=1) @ W.T + b
    rs2 = jnp.concatenate([z_21, z_22], axis=1) @ W.T + b
    # BCE-with-logits, target=1: softplus(-x); target=0: softplus(x); weighted, mean reduction
    pos_loss = jnp.mean(edge_w1 * jax.nn.softplus(-rs1))
    neg_loss = jnp.mean(edge_w2 * jax.nn.softplus(rs2))
    return pos_loss + neg_loss

if __name__ == "__main__":
    import jax
    _d = setup_inputs()
    print(jax.jit(kernel)(*tuple(_d.values())))

</pallas_src>

<mosaic_0001>
#map = affine_map<(d0, d1) -> (0)>
#map1 = affine_map<(d0, d1) -> (0, 0)>
module attributes {stable_mosaic.version = 14 : i64} {
  func.func @_edge_loss_body(%arg0: i32, %arg1: i32, %arg2: memref<10000xf32, #tpu.memory_space<hbm>>, %arg3: memref<10000xf32, #tpu.memory_space<hbm>>, %arg4: memref<2x160000xi32, #tpu.memory_space<hbm>>, %arg5: memref<2x160000xi32, #tpu.memory_space<hbm>>, %arg6: memref<160000xf32, #tpu.memory_space<hbm>>, %arg7: memref<160000xf32, #tpu.memory_space<hbm>>, %arg8: memref<32x16xf32, #tpu.memory_space<hbm>>, %arg9: memref<10000xf32, #tpu.memory_space<vmem>>, %arg10: memref<10000xf32, #tpu.memory_space<vmem>>, %arg11: memref<2x5120xi32, #tpu.memory_space<vmem>>, %arg12: memref<2x5120xi32, #tpu.memory_space<vmem>>, %arg13: memref<5120xf32, #tpu.memory_space<vmem>>, %arg14: memref<5120xf32, #tpu.memory_space<vmem>>, %arg15: memref<16xf32, #tpu.memory_space<vmem>>, %arg16: memref<!tpu.dma_semaphore, #tpu.memory_space<semaphore_mem>>) attributes {dimension_semantics = [#tpu.dimension_semantics<core_parallel>, #tpu.dimension_semantics<subcore_parallel>], iteration_bounds = array<i64: 2, 16>, scalar_prefetch = 0 : i64, scratch_operands = 8 : i64, tpu.core_type = #tpu.core_type<sc_vector_subcore>, window_params = [{transform_indices = #map}, {transform_indices = #map}, {transform_indices = #map1}, {transform_indices = #map1}, {transform_indices = #map}, {transform_indices = #map}, {transform_indices = #map1}]} {
    %mul3A = arith.constant 2 : i32
    %mul3A_0 = arith.muli %arg1, %mul3A : i32
    %add3A = arith.addi %mul3A_0, %arg0 : i32
    %mul3A_1 = arith.constant 4992 : i32
    %mul3A_2 = arith.muli %add3A, %mul3A_1 : i32
    %dma_start3A = arith.constant 0 : i32
    %dma_start3A_3 = tpu.memref_slice %arg9[%dma_start3A] : memref<10000xf32, #tpu.memory_space<vmem>> -> memref<10000xf32, #tpu.memory_space<vmem>>
    %dma_start3A_4 = arith.constant 0 : i32
    %dma_start3A_5 = tpu.memref_slice %arg9[%dma_start3A_4] : memref<10000xf32, #tpu.memory_space<vmem>> -> memref<10000xf32, #tpu.memory_space<vmem>>
    tpu.enqueue_dma source(%arg2 : memref<10000xf32, #tpu.memory_space<hbm>>) target(%dma_start3A_5 : memref<10000xf32, #tpu.memory_space<vmem>>) target_semaphore(%arg16 : memref<!tpu.dma_semaphore, #tpu.memory_space<semaphore_mem>>)
    %dma_start3A_6 = arith.constant 0 : i32
    %dma_start3A_7 = tpu.memref_slice %arg10[%dma_start3A_6] : memref<10000xf32, #tpu.memory_space<vmem>> -> memref<10000xf32, #tpu.memory_space<vmem>>
    %dma_start3A_8 = arith.constant 0 : i32
    %dma_start3A_9 = tpu.memref_slice %arg10[%dma_start3A_8] : memref<10000xf32, #tpu.memory_space<vmem>> -> memref<10000xf32, #tpu.memory_space<vmem>>
    tpu.enqueue_dma source(%arg3 : memref<10000xf32, #tpu.memory_space<hbm>>) target(%dma_start3A_9 : memref<10000xf32, #tpu.memory_space<vmem>>) target_semaphore(%arg16 : memref<!tpu.dma_semaphore, #tpu.memory_space<semaphore_mem>>)
    %dma_start3A_10 = arith.constant 0 : i32
    %dma_start3A_11 = arith.constant 0 : i32
    %dma_start3A_12 = tpu.memref_slice %arg11[%dma_start3A_10, %dma_start3A_11] : memref<2x5120xi32, #tpu.memory_space<vmem>> -> memref<2x4992xi32, #tpu.memory_space<vmem>>
    %dma_start3A_13 = arith.constant 0 : i32
    %dma_start3A_14 = tpu.memref_slice %arg4[%dma_start3A_13, %mul3A_2] : memref<2x160000xi32, #tpu.memory_space<hbm>> -> memref<2x4992xi32, #tpu.memory_space<hbm>>
    %dma_start3A_15 = arith.constant 0 : i32
    %dma_start3A_16 = arith.constant 0 : i32
    %dma_start3A_17 = tpu.memref_slice %arg11[%dma_start3A_15, %dma_start3A_16] : memref<2x5120xi32, #tpu.memory_space<vmem>> -> memref<2x4992xi32, #tpu.memory_space<vmem>>
    %dma_start3A_18 = arith.constant 0 : i32
    %dma_start3A_19 = tpu.memref_slice %arg4[%dma_start3A_18, %mul3A_2] : memref<2x160000xi32, #tpu.memory_space<hbm>> -> memref<2x4992xi32, #tpu.memory_space<hbm>>
    tpu.enqueue_dma source(%dma_start3A_19 : memref<2x4992xi32, #tpu.memory_space<hbm>>) target(%dma_start3A_17 : memref<2x4992xi32, #tpu.memory_space<vmem>>) target_semaphore(%arg16 : memref<!tpu.dma_semaphore, #tpu.memory_space<semaphore_mem>>)
    %dma_start3A_20 = arith.constant 0 : i32
    %dma_start3A_21 = arith.constant 0 : i32
    %dma_start3A_22 = tpu.memref_slice %arg12[%dma_start3A_20, %dma_start3A_21] : memref<2x5120xi32, #tpu.memory_space<vmem>> -> memref<2x4992xi32, #tpu.memory_space<vmem>>
    %dma_start3A_23 = arith.constant 0 : i32
    %dma_start3A_24 = tpu.memref_slice %arg5[%dma_start3A_23, %mul3A_2] : memref<2x160000xi32, #tpu.memory_space<hbm>> -> memref<2x4992xi32, #tpu.memory_space<hbm>>
    %dma_start3A_25 = arith.constant 0 : i32
    %dma_start3A_26 = arith.constant 0 : i32
    %dma_start3A_27 = tpu.memref_slice %arg12[%dma_start3A_25, %dma_start3A_26] : memref<2x5120xi32, #tpu.memory_space<vmem>> -> memref<2x4992xi32, #tpu.memory_space<vmem>>
    %dma_start3A_28 = arith.constant 0 : i32
    %dma_start3A_29 = tpu.memref_slice %arg5[%dma_start3A_28, %mul3A_2] : memref<2x160000xi32, #tpu.memory_space<hbm>> -> memref<2x4992xi32, #tpu.memory_space<hbm>>
    tpu.enqueue_dma source(%dma_start3A_29 : memref<2x4992xi32, #tpu.memory_space<hbm>>) target(%dma_start3A_27 : memref<2x4992xi32, #tpu.memory_space<vmem>>) target_semaphore(%arg16 : memref<!tpu.dma_semaphore, #tpu.memory_space<semaphore_mem>>)
    %dma_start3A_30 = arith.constant 0 : i32
    %dma_start3A_31 = tpu.memref_slice %arg13[%dma_start3A_30] : memref<5120xf32, #tpu.memory_space<vmem>> -> memref<4992xf32, #tpu.memory_space<vmem>>
    %dma_start3A_32 = tpu.memref_slice %arg6[%mul3A_2] : memref<160000xf32, #tpu.memory_space<hbm>> -> memref<4992xf32, #tpu.memory_space<hbm>>
    %dma_start3A_33 = arith.constant 0 : i32
    %dma_start3A_34 = tpu.memref_slice %arg13[%dma_start3A_33] : memref<5120xf32, #tpu.memory_space<vmem>> -> memref<4992xf32, #tpu.memory_space<vmem>>
    %dma_start3A_35 = tpu.memref_slice %arg6[%mul3A_2] : memref<160000xf32, #tpu.memory_space<hbm>> -> memref<4992xf32, #tpu.memory_space<hbm>>
    tpu.enqueue_dma source(%dma_start3A_35 : memref<4992xf32, #tpu.memory_space<hbm>>) target(%dma_start3A_34 : memref<4992xf32, #tpu.memory_space<vmem>>) target_semaphore(%arg16 : memref<!tpu.dma_semaphore, #tpu.memory_space<semaphore_mem>>)
    %dma_start3A_36 = arith.constant 0 : i32
    %dma_start3A_37 = tpu.memref_slice %arg14[%dma_start3A_36] : memref<5120xf32, #tpu.memory_space<vmem>> -> memref<4992xf32, #tpu.memory_space<vmem>>
    %dma_start3A_38 = tpu.memref_slice %arg7[%mul3A_2] : memref<160000xf32, #tpu.memory_space<hbm>> -> memref<4992xf32, #tpu.memory_space<hbm>>
    %dma_start3A_39 = arith.constant 0 : i32
    %dma_start3A_40 = tpu.memref_slice %arg14[%dma_start3A_39] : memref<5120xf32, #tpu.memory_space<vmem>> -> memref<4992xf32, #tpu.memory_space<vmem>>
    %dma_start3A_41 = tpu.memref_slice %arg7[%mul3A_2] : memref<160000xf32, #tpu.memory_space<hbm>> -> memref<4992xf32, #tpu.memory_space<hbm>>
    tpu.enqueue_dma source(%dma_start3A_41 : memref<4992xf32, #tpu.memory_space<hbm>>) target(%dma_start3A_40 : memref<4992xf32, #tpu.memory_space<vmem>>) target_semaphore(%arg16 : memref<!tpu.dma_semaphore, #tpu.memory_space<semaphore_mem>>)
    %lt3A = arith.constant 2 : i32
    %lt3A_42 = arith.cmpi slt, %add3A, %lt3A : i32
    %convert_element_type3A = arith.extui %lt3A_42 : i1 to i32
    %cond3A = arith.constant 0 : i32
    %cond3A_43 = arith.cmpi ne, %convert_element_type3A, %cond3A : i32
    scf.if %cond3A_43 {
      %mul3A_97 = arith.constant 128 : i32
      %mul3A_98 = arith.muli %add3A, %mul3A_97 : i32
      %add3A_99 = arith.constant 159744 : i32
      %add3A_100 = arith.addi %add3A_99, %mul3A_98 : i32
      "tpu.region"() ({
        %run_scoped3A = tpu.sem_alloc : memref<!tpu.dma_semaphore, #tpu.memory_space<semaphore_mem>>
        %dma_start3A_101 = arith.constant 0 : i32
        %dma_start3A_102 = arith.constant 4992 : i32
        %dma_start3A_103 = tpu.memref_slice %arg11[%dma_start3A_101, %dma_start3A_102] : memref<2x5120xi32, #tpu.memory_space<vmem>> -> memref<2x128xi32, #tpu.memory_space<vmem>>
        %dma_start3A_104 = arith.constant 0 : i32
        %dma_start3A_105 = tpu.memref_slice %arg4[%dma_start3A_104, %add3A_100] : memref<2x160000xi32, #tpu.memory_space<hbm>> -> memref<2x128xi32, #tpu.memory_space<hbm>>
        %dma_start3A_106 = arith.constant 0 : i32
        %dma_start3A_107 = arith.constant 4992 : i32
        %dma_start3A_108 = tpu.memref_slice %arg11[%dma_start3A_106, %dma_start3A_107] : memref<2x5120xi32, #tpu.memory_space<vmem>> -> memref<2x128xi32, #tpu.memory_space<vmem>>
        %dma_start3A_109 = arith.constant 0 : i32
        %dma_start3A_110 = tpu.memref_slice %arg4[%dma_start3A_109, %add3A_100] : memref<2x160000xi32, #tpu.memory_space<hbm>> -> memref<2x128xi32, #tpu.memory_space<hbm>>
        tpu.enqueue_dma source(%dma_start3A_110 : memref<2x128xi32, #tpu.memory_space<hbm>>) target(%dma_start3A_108 : memref<2x128xi32, #tpu.memory_space<vmem>>) target_semaphore(%run_scoped3A : memref<!tpu.dma_semaphore, #tpu.memory_space<semaphore_mem>>)
        %dma_wait3A_111 = arith.constant 0 : i32
        %dma_wait3A_112 = arith.constant 4992 : i32
        %dma_wait3A_113 = tpu.memref_slice %arg11[%dma_wait3A_111, %dma_wait3A_112] : memref<2x5120xi32, #tpu.memory_space<vmem>> -> memref<2x128xi32, #tpu.memory_space<vmem>>
        %dma_wait3A_114 = arith.constant 0 : i32
        %dma_wait3A_115 = tpu.memref_slice %arg4[%dma_wait3A_114, %add3A_100] : memref<2x160000xi32, #tpu.memory_space<hbm>> -> memref<2x128xi32, #tpu.memory_space<hbm>>
        %dma_wait3A_116 = arith.constant 0 : i32
        %dma_wait3A_117 = arith.constant 4992 : i32
        %dma_wait3A_118 = tpu.memref_slice %arg11[%dma_wait3A_116, %dma_wait3A_117] : memref<2x5120xi32, #tpu.memory_space<vmem>> -> memref<2x128xi32, #tpu.memory_space<vmem>>
        %dma_wait3A_119 = arith.constant 0 : i32
        %dma_wait3A_120 = tpu.memref_slice %arg4[%dma_wait3A_119, %add3A_100] : memref<2x160000xi32, #tpu.memory_space<hbm>> -> memref<2x128xi32, #tpu.memory_space<hbm>>
        tpu.wait_dma2 semaphore(%run_scoped3A : memref<!tpu.dma_semaphore, #tpu.memory_space<semaphore_mem>>) src(%dma_wait3A_120 : memref<2x128xi32, #tpu.memory_space<hbm>>) dst(%dma_wait3A_118 : memref<2x128xi32, #tpu.memory_space<vmem>>)
        tpu.yield
      }) : () -> ()
      "tpu.region"() ({
        %run_scoped3A = tpu.sem_alloc : memref<!tpu.dma_semaphore, #tpu.memory_space<semaphore_mem>>
        %dma_start3A_101 = arith.constant 0 : i32
        %dma_start3A_102 = arith.constant 4992 : i32
        %dma_start3A_103 = tpu.memref_slice %arg12[%dma_start3A_101, %dma_start3A_102] : memref<2x5120xi32, #tpu.memory_space<vmem>> -> memref<2x128xi32, #tpu.memory_space<vmem>>
        %dma_start3A_104 = arith.constant 0 : i32
        %dma_start3A_105 = tpu.memref_slice %arg5[%dma_start3A_104, %add3A_100] : memref<2x160000xi32, #tpu.memory_space<hbm>> -> memref<2x128xi32, #tpu.memory_space<hbm>>
        %dma_start3A_106 = arith.constant 0 : i32
        %dma_start3A_107 = arith.constant 4992 : i32
        %dma_start3A_108 = tpu.memref_slice %arg12[%dma_start3A_106, %dma_start3A_107] : memref<2x5120xi32, #tpu.memory_space<vmem>> -> memref<2x128xi32, #tpu.memory_space<vmem>>
        %dma_start3A_109 = arith.constant 0 : i32
        %dma_start3A_110 = tpu.memref_slice %arg5[%dma_start3A_109, %add3A_100] : memref<2x160000xi32, #tpu.memory_space<hbm>> -> memref<2x128xi32, #tpu.memory_space<hbm>>
        tpu.enqueue_dma source(%dma_start3A_110 : memref<2x128xi32, #tpu.memory_space<hbm>>) target(%dma_start3A_108 : memref<2x128xi32, #tpu.memory_space<vmem>>) target_semaphore(%run_scoped3A : memref<!tpu.dma_semaphore, #tpu.memory_space<semaphore_mem>>)
        %dma_wait3A_111 = arith.constant 0 : i32
        %dma_wait3A_112 = arith.constant 4992 : i32
        %dma_wait3A_113 = tpu.memref_slice %arg12[%dma_wait3A_111, %dma_wait3A_112] : memref<2x5120xi32, #tpu.memory_space<vmem>> -> memref<2x128xi32, #tpu.memory_space<vmem>>
        %dma_wait3A_114 = arith.constant 0 : i32
        %dma_wait3A_115 = tpu.memref_slice %arg5[%dma_wait3A_114, %add3A_100] : memref<2x160000xi32, #tpu.memory_space<hbm>> -> memref<2x128xi32, #tpu.memory_space<hbm>>
        %dma_wait3A_116 = arith.constant 0 : i32
        %dma_wait3A_117 = arith.constant 4992 : i32
        %dma_wait3A_118 = tpu.memref_slice %arg12[%dma_wait3A_116, %dma_wait3A_117] : memref<2x5120xi32, #tpu.memory_space<vmem>> -> memref<2x128xi32, #tpu.memory_space<vmem>>
        %dma_wait3A_119 = arith.constant 0 : i32
        %dma_wait3A_120 = tpu.memref_slice %arg5[%dma_wait3A_119, %add3A_100] : memref<2x160000xi32, #tpu.memory_space<hbm>> -> memref<2x128xi32, #tpu.memory_space<hbm>>
        tpu.wait_dma2 semaphore(%run_scoped3A : memref<!tpu.dma_semaphore, #tpu.memory_space<semaphore_mem>>) src(%dma_wait3A_120 : memref<2x128xi32, #tpu.memory_space<hbm>>) dst(%dma_wait3A_118 : memref<2x128xi32, #tpu.memory_space<vmem>>)
        tpu.yield
      }) : () -> ()
      "tpu.region"() ({
        %run_scoped3A = tpu.sem_alloc : memref<!tpu.dma_semaphore, #tpu.memory_space<semaphore_mem>>
        %dma_start3A_101 = arith.constant 4992 : i32
        %dma_start3A_102 = tpu.memref_slice %arg13[%dma_start3A_101] : memref<5120xf32, #tpu.memory_space<vmem>> -> memref<128xf32, #tpu.memory_space<vmem>>
        %dma_start3A_103 = tpu.memref_slice %arg6[%add3A_100] : memref<160000xf32, #tpu.memory_space<hbm>> -> memref<128xf32, #tpu.memory_space<hbm>>
        %dma_start3A_104 = arith.constant 4992 : i32
        %dma_start3A_105 = tpu.memref_slice %arg13[%dma_start3A_104] : memref<5120xf32, #tpu.memory_space<vmem>> -> memref<128xf32, #tpu.memory_space<vmem>>
        %dma_start3A_106 = tpu.memref_slice %arg6[%add3A_100] : memref<160000xf32, #tpu.memory_space<hbm>> -> memref<128xf32, #tpu.memory_space<hbm>>
        tpu.enqueue_dma source(%dma_start3A_106 : memref<128xf32, #tpu.memory_space<hbm>>) target(%dma_start3A_105 : memref<128xf32, #tpu.memory_space<vmem>>) target_semaphore(%run_scoped3A : memref<!tpu.dma_semaphore, #tpu.memory_space<semaphore_mem>>)
        %dma_wait3A_107 = arith.constant 4992 : i32
        %dma_wait3A_108 = tpu.memref_slice %arg13[%dma_wait3A_107] : memref<5120xf32, #tpu.memory_space<vmem>> -> memref<128xf32, #tpu.memory_space<vmem>>
        %dma_wait3A_109 = tpu.memref_slice %arg6[%add3A_100] : memref<160000xf32, #tpu.memory_space<hbm>> -> memref<128xf32, #tpu.memory_space<hbm>>
        %dma_wait3A_110 = arith.constant 4992 : i32
        %dma_wait3A_111 = tpu.memref_slice %arg13[%dma_wait3A_110] : memref<5120xf32, #tpu.memory_space<vmem>> -> memref<128xf32, #tpu.memory_space<vmem>>
        %dma_wait3A_112 = tpu.memref_slice %arg6[%add3A_100] : memref<160000xf32, #tpu.memory_space<hbm>> -> memref<128xf32, #tpu.memory_space<hbm>>
        tpu.wait_dma2 semaphore(%run_scoped3A : memref<!tpu.dma_semaphore, #tpu.memory_space<semaphore_mem>>) src(%dma_wait3A_112 : memref<128xf32, #tpu.memory_space<hbm>>) dst(%dma_wait3A_111 : memref<128xf32, #tpu.memory_space<vmem>>)
        tpu.yield
      }) : () -> ()
      "tpu.region"() ({
        %run_scoped3A = tpu.sem_alloc : memref<!tpu.dma_semaphore, #tpu.memory_space<semaphore_mem>>
        %dma_start3A_101 = arith.constant 4992 : i32
        %dma_start3A_102 = tpu.memref_slice %arg14[%dma_start3A_101] : memref<5120xf32, #tpu.memory_space<vmem>> -> memref<128xf32, #tpu.memory_space<vmem>>
        %dma_start3A_103 = tpu.memref_slice %arg7[%add3A_100] : memref<160000xf32, #tpu.memory_space<hbm>> -> memref<128xf32, #tpu.memory_space<hbm>>
        %dma_start3A_104 = arith.constant 4992 : i32
        %dma_start3A_105 = tpu.memref_slice %arg14[%dma_start3A_104] : memref<5120xf32, #tpu.memory_space<vmem>> -> memref<128xf32, #tpu.memory_space<vmem>>
        %dma_start3A_106 = tpu.memref_slice %arg7[%add3A_100] : memref<160000xf32, #tpu.memory_space<hbm>> -> memref<128xf32, #tpu.memory_space<hbm>>
        tpu.enqueue_dma source(%dma_start3A_106 : memref<128xf32, #tpu.memory_space<hbm>>) target(%dma_start3A_105 : memref<128xf32, #tpu.memory_space<vmem>>) target_semaphore(%run_scoped3A : memref<!tpu.dma_semaphore, #tpu.memory_space<semaphore_mem>>)
        %dma_wait3A_107 = arith.constant 4992 : i32
        %dma_wait3A_108 = tpu.memref_slice %arg14[%dma_wait3A_107] : memref<5120xf32, #tpu.memory_space<vmem>> -> memref<128xf32, #tpu.memory_space<vmem>>
        %dma_wait3A_109 = tpu.memref_slice %arg7[%add3A_100] : memref<160000xf32, #tpu.memory_space<hbm>> -> memref<128xf32, #tpu.memory_space<hbm>>
        %dma_wait3A_110 = arith.constant 4992 : i32
        %dma_wait3A_111 = tpu.memref_slice %arg14[%dma_wait3A_110] : memref<5120xf32, #tpu.memory_space<vmem>> -> memref<128xf32, #tpu.memory_space<vmem>>
        %dma_wait3A_112 = tpu.memref_slice %arg7[%add3A_100] : memref<160000xf32, #tpu.memory_space<hbm>> -> memref<128xf32, #tpu.memory_space<hbm>>
        tpu.wait_dma2 semaphore(%run_scoped3A : memref<!tpu.dma_semaphore, #tpu.memory_space<semaphore_mem>>) src(%dma_wait3A_112 : memref<128xf32, #tpu.memory_space<hbm>>) dst(%dma_wait3A_111 : memref<128xf32, #tpu.memory_space<vmem>>)
        tpu.yield
      }) : () -> ()
    } else {
    }
    %dma_wait3A = arith.constant 0 : i32
    %dma_wait3A_44 = tpu.memref_slice %arg9[%dma_wait3A] : memref<10000xf32, #tpu.memory_space<vmem>> -> memref<10000xf32, #tpu.memory_space<vmem>>
    %dma_wait3A_45 = arith.constant 0 : i32
    %dma_wait3A_46 = tpu.memref_slice %arg9[%dma_wait3A_45] : memref<10000xf32, #tpu.memory_space<vmem>> -> memref<10000xf32, #tpu.memory_space<vmem>>
    tpu.wait_dma2 semaphore(%arg16 : memref<!tpu.dma_semaphore, #tpu.memory_space<semaphore_mem>>) src(%arg2 : memref<10000xf32, #tpu.memory_space<hbm>>) dst(%dma_wait3A_46 : memref<10000xf32, #tpu.memory_space<vmem>>)
    %dma_wait3A_47 = arith.constant 0 : i32
    %dma_wait3A_48 = tpu.memref_slice %arg10[%dma_wait3A_47] : memref<10000xf32, #tpu.memory_space<vmem>> -> memref<10000xf32, #tpu.memory_space<vmem>>
    %dma_wait3A_49 = arith.constant 0 : i32
    %dma_wait3A_50 = tpu.memref_slice %arg10[%dma_wait3A_49] : memref<10000xf32, #tpu.memory_space<vmem>> -> memref<10000xf32, #tpu.memory_space<vmem>>
    tpu.wait_dma2 semaphore(%arg16 : memref<!tpu.dma_semaphore, #tpu.memory_space<semaphore_mem>>) src(%arg3 : memref<10000xf32, #tpu.memory_space<hbm>>) dst(%dma_wait3A_50 : memref<10000xf32, #tpu.memory_space<vmem>>)
    %dma_wait3A_51 = arith.constant 0 : i32
    %dma_wait3A_52 = arith.constant 0 : i32
    %dma_wait3A_53 = tpu.memref_slice %arg11[%dma_wait3A_51, %dma_wait3A_52] : memref<2x5120xi32, #tpu.memory_space<vmem>> -> memref<2x4992xi32, #tpu.memory_space<vmem>>
    %dma_wait3A_54 = arith.constant 0 : i32
    %dma_wait3A_55 = tpu.memref_slice %arg4[%dma_wait3A_54, %mul3A_2] : memref<2x160000xi32, #tpu.memory_space<hbm>> -> memref<2x4992xi32, #tpu.memory_space<hbm>>
    %dma_wait3A_56 = arith.constant 0 : i32
    %dma_wait3A_57 = arith.constant 0 : i32
    %dma_wait3A_58 = tpu.memref_slice %arg11[%dma_wait3A_56, %dma_wait3A_57] : memref<2x5120xi32, #tpu.memory_space<vmem>> -> memref<2x4992xi32, #tpu.memory_space<vmem>>
    %dma_wait3A_59 = arith.constant 0 : i32
    %dma_wait3A_60 = tpu.memref_slice %arg4[%dma_wait3A_59, %mul3A_2] : memref<2x160000xi32, #tpu.memory_space<hbm>> -> memref<2x4992xi32, #tpu.memory_space<hbm>>
    tpu.wait_dma2 semaphore(%arg16 : memref<!tpu.dma_semaphore, #tpu.memory_space<semaphore_mem>>) src(%dma_wait3A_60 : memref<2x4992xi32, #tpu.memory_space<hbm>>) dst(%dma_wait3A_58 : memref<2x4992xi32, #tpu.memory_space<vmem>>)
    %dma_wait3A_61 = arith.constant 0 : i32
    %dma_wait3A_62 = arith.constant 0 : i32
    %dma_wait3A_63 = tpu.memref_slice %arg12[%dma_wait3A_61, %dma_wait3A_62] : memref<2x5120xi32, #tpu.memory_space<vmem>> -> memref<2x4992xi32, #tpu.memory_space<vmem>>
    %dma_wait3A_64 = arith.constant 0 : i32
    %dma_wait3A_65 = tpu.memref_slice %arg5[%dma_wait3A_64, %mul3A_2] : memref<2x160000xi32, #tpu.memory_space<hbm>> -> memref<2x4992xi32, #tpu.memory_space<hbm>>
    %dma_wait3A_66 = arith.constant 0 : i32
    %dma_wait3A_67 = arith.constant 0 : i32
    %dma_wait3A_68 = tpu.memref_slice %arg12[%dma_wait3A_66, %dma_wait3A_67] : memref<2x5120xi32, #tpu.memory_space<vmem>> -> memref<2x4992xi32, #tpu.memory_space<vmem>>
    %dma_wait3A_69 = arith.constant 0 : i32
    %dma_wait3A_70 = tpu.memref_slice %arg5[%dma_wait3A_69, %mul3A_2] : memref<2x160000xi32, #tpu.memory_space<hbm>> -> memref<2x4992xi32, #tpu.memory_space<hbm>>
    tpu.wait_dma2 semaphore(%arg16 : memref<!tpu.dma_semaphore, #tpu.memory_space<semaphore_mem>>) src(%dma_wait3A_70 : memref<2x4992xi32, #tpu.memory_space<hbm>>) dst(%dma_wait3A_68 : memref<2x4992xi32, #tpu.memory_space<vmem>>)
    %dma_wait3A_71 = arith.constant 0 : i32
    %dma_wait3A_72 = tpu.memref_slice %arg13[%dma_wait3A_71] : memref<5120xf32, #tpu.memory_space<vmem>> -> memref<4992xf32, #tpu.memory_space<vmem>>
    %dma_wait3A_73 = tpu.memref_slice %arg6[%mul3A_2] : memref<160000xf32, #tpu.memory_space<hbm>> -> memref<4992xf32, #tpu.memory_space<hbm>>
    %dma_wait3A_74 = arith.constant 0 : i32
    %dma_wait3A_75 = tpu.memref_slice %arg13[%dma_wait3A_74] : memref<5120xf32, #tpu.memory_space<vmem>> -> memref<4992xf32, #tpu.memory_space<vmem>>
    %dma_wait3A_76 = tpu.memref_slice %arg6[%mul3A_2] : memref<160000xf32, #tpu.memory_space<hbm>> -> memref<4992xf32, #tpu.memory_space<hbm>>
    tpu.wait_dma2 semaphore(%arg16 : memref<!tpu.dma_semaphore, #tpu.memory_space<semaphore_mem>>) src(%dma_wait3A_76 : memref<4992xf32, #tpu.memory_space<hbm>>) dst(%dma_wait3A_75 : memref<4992xf32, #tpu.memory_space<vmem>>)
    %dma_wait3A_77 = arith.constant 0 : i32
    %dma_wait3A_78 = tpu.memref_slice %arg14[%dma_wait3A_77] : memref<5120xf32, #tpu.memory_space<vmem>> -> memref<4992xf32, #tpu.memory_space<vmem>>
    %dma_wait3A_79 = tpu.memref_slice %arg7[%mul3A_2] : memref<160000xf32, #tpu.memory_space<hbm>> -> memref<4992xf32, #tpu.memory_space<hbm>>
    %dma_wait3A_80 = arith.constant 0 : i32
    %dma_wait3A_81 = tpu.memref_slice %arg14[%dma_wait3A_80] : memref<5120xf32, #tpu.memory_space<vmem>> -> memref<4992xf32, #tpu.memory_space<vmem>>
    %dma_wait3A_82 = tpu.memref_slice %arg7[%mul3A_2] : memref<160000xf32, #tpu.memory_space<hbm>> -> memref<4992xf32, #tpu.memory_space<hbm>>
    tpu.wait_dma2 semaphore(%arg16 : memref<!tpu.dma_semaphore, #tpu.memory_space<semaphore_mem>>) src(%dma_wait3A_82 : memref<4992xf32, #tpu.memory_space<hbm>>) dst(%dma_wait3A_81 : memref<4992xf32, #tpu.memory_space<vmem>>)
    %broadcast_in_dim3A = arith.constant 0.000000e+00 : f32
    %broadcast_in_dim3A_83 = vector.broadcast %broadcast_in_dim3A : f32 to vector<16xf32>
    %parallel_loop3A = arith.constant 0 : i32
    %parallel_loop3A_84 = arith.constant 156 : i32
    %parallel_loop3A_85 = arith.constant 1 : i32
    %parallel_loop3A_86:4 = scf.for %parallel_loop3A_97 = %parallel_loop3A to %parallel_loop3A_84 step %parallel_loop3A_85 iter_args(%parallel_loop3A_98 = %broadcast_in_dim3A_83, %parallel_loop3A_99 = %broadcast_in_dim3A_83, %parallel_loop3A_100 = %broadcast_in_dim3A_83, %parallel_loop3A_101 = %broadcast_in_dim3A_83) -> (vector<16xf32>, vector<16xf32>, vector<16xf32>, vector<16xf32>)  : i32 {
      %parallel_loop3A_102 = arith.constant 2 : i32
      %parallel_loop3A_103 = arith.muli %parallel_loop3A_102, %parallel_loop3A_97 : i32
      %parallel_loop3A_104 = arith.constant 16 : i32
      %parallel_loop3A_105 = arith.muli %parallel_loop3A_103, %parallel_loop3A_104 : i32
      %parallel_loop3A_106 = arith.constant 0 : i32
      %parallel_loop3A_107 = arith.index_cast %parallel_loop3A_106 : i32 to index
      %parallel_loop3A_108 = arith.index_cast %parallel_loop3A_105 : i32 to index
      %parallel_loop3A_109 = tpu.vector_load %arg11[%parallel_loop3A_107, %parallel_loop3A_108] {strides = array<i32>} : memref<2x5120xi32, #tpu.memory_space<vmem>>, vector<16xi32>,
      %parallel_loop3A_110 = arith.constant 1 : i32
      %parallel_loop3A_111 = arith.index_cast %parallel_loop3A_110 : i32 to index
      %parallel_loop3A_112 = arith.index_cast %parallel_loop3A_105 : i32 to index
      %parallel_loop3A_113 = tpu.vector_load %arg11[%parallel_loop3A_111, %parallel_loop3A_112] {strides = array<i32>} : memref<2x5120xi32, #tpu.memory_space<vmem>>, vector<16xi32>,
      %parallel_loop3A_114 = arith.constant 0 : i32
      %parallel_loop3A_115 = arith.index_cast %parallel_loop3A_114 : i32 to index
      %parallel_loop3A_116 = arith.index_cast %parallel_loop3A_105 : i32 to index
      %parallel_loop3A_117 = tpu.vector_load %arg12[%parallel_loop3A_115, %parallel_loop3A_116] {strides = array<i32>} : memref<2x5120xi32, #tpu.memory_space<vmem>>, vector<16xi32>,
      %parallel_loop3A_118 = arith.constant 1 : i32
      %parallel_loop3A_119 = arith.index_cast %parallel_loop3A_118 : i32 to index
      %parallel_loop3A_120 = arith.index_cast %parallel_loop3A_105 : i32 to index
      %parallel_loop3A_121 = tpu.vector_load %arg12[%parallel_loop3A_119, %parallel_loop3A_120] {strides = array<i32>} : memref<2x5120xi32, #tpu.memory_space<vmem>>, vector<16xi32>,
      %parallel_loop3A_122 = arith.index_cast %parallel_loop3A_105 : i32 to index
      %parallel_loop3A_123 = tpu.vector_load %arg13[%parallel_loop3A_122] {strides = array<i32>} : memref<5120xf32, #tpu.memory_space<vmem>>, vector<16xf32>,
      %parallel_loop3A_124 = arith.index_cast %parallel_loop3A_105 : i32 to index
      %parallel_loop3A_125 = tpu.vector_load %arg14[%parallel_loop3A_124] {strides = array<i32>} : memref<5120xf32, #tpu.memory_space<vmem>>, vector<16xf32>,
      %parallel_loop3A_126 = tpu.vector_load_idx %arg9[%parallel_loop3A_109] : memref<10000xf32, #tpu.memory_space<vmem>>[vector<16xi32>], vector<16xf32>,
      %parallel_loop3A_127 = tpu.vector_load_idx %arg10[%parallel_loop3A_113] : memref<10000xf32, #tpu.memory_space<vmem>>[vector<16xi32>], vector<16xf32>,
      %parallel_loop3A_128 = arith.addf %parallel_loop3A_126, %parallel_loop3A_127 : vector<16xf32>
      %parallel_loop3A_129 = tpu.vector_load_idx %arg9[%parallel_loop3A_117] : memref<10000xf32, #tpu.memory_space<vmem>>[vector<16xi32>], vector<16xf32>,
      %parallel_loop3A_130 = tpu.vector_load_idx %arg10[%parallel_loop3A_121] : memref<10000xf32, #tpu.memory_space<vmem>>[vector<16xi32>], vector<16xf32>,
      %parallel_loop3A_131 = arith.addf %parallel_loop3A_129, %parallel_loop3A_130 : vector<16xf32>
      %parallel_loop3A_132 = arith.constant 0.000000e+00 : f32
      %parallel_loop3A_133 = vector.broadcast %parallel_loop3A_132 : f32 to vector<16xf32>
      %parallel_loop3A_134 = arith.subf %parallel_loop3A_133, %parallel_loop3A_128 : vector<16xf32>
      %parallel_loop3A_135 = arith.constant 0.000000e+00 : f32
      %parallel_loop3A_136 = vector.broadcast %parallel_loop3A_135 : f32 to vector<16xf32>
      %parallel_loop3A_137 = arith.maximumf %parallel_loop3A_134, %parallel_loop3A_136 : vector<16xf32>
      %parallel_loop3A_138 = math.absf %parallel_loop3A_128 : vector<16xf32>
      %parallel_loop3A_139 = arith.constant 0.000000e+00 : f32
      %parallel_loop3A_140 = vector.broadcast %parallel_loop3A_139 : f32 to vector<16xf32>
      %parallel_loop3A_141 = arith.subf %parallel_loop3A_140, %parallel_loop3A_138 : vector<16xf32>
      %parallel_loop3A_142 = math.exp %parallel_loop3A_141 : vector<16xf32>
      %parallel_loop3A_143 = arith.constant -0.0172080602 : f32
      %parallel_loop3A_144 = vector.broadcast %parallel_loop3A_143 : f32 to vector<16xf32>
      %parallel_loop3A_145 = arith.mulf %parallel_loop3A_144, %parallel_loop3A_142 : vector<16xf32>
      %parallel_loop3A_146 = arith.constant 0.0817268118 : f32
      %parallel_loop3A_147 = vector.broadcast %parallel_loop3A_146 : f32 to vector<16xf32>
      %parallel_loop3A_148 = arith.addf %parallel_loop3A_145, %parallel_loop3A_147 : vector<16xf32>
      %parallel_loop3A_149 = arith.mulf %parallel_loop3A_148, %parallel_loop3A_142 : vector<16xf32>
      %parallel_loop3A_150 = arith.constant -0.188782677 : f32
      %parallel_loop3A_151 = vector.broadcast %parallel_loop3A_150 : f32 to vector<16xf32>
      %parallel_loop3A_152 = arith.addf %parallel_loop3A_149, %parallel_loop3A_151 : vector<16xf32>
      %parallel_loop3A_153 = arith.mulf %parallel_loop3A_152, %parallel_loop3A_142 : vector<16xf32>
      %parallel_loop3A_154 = arith.constant 0.314590544 : f32
      %parallel_loop3A_155 = vector.broadcast %parallel_loop3A_154 : f32 to vector<16xf32>
      %parallel_loop3A_156 = arith.addf %parallel_loop3A_153, %parallel_loop3A_155 : vector<16xf32>
      %parallel_loop3A_157 = arith.mulf %parallel_loop3A_156, %parallel_loop3A_142 : vector<16xf32>
      %parallel_loop3A_158 = arith.constant -0.496977925 : f32
      %parallel_loop3A_159 = vector.broadcast %parallel_loop3A_158 : f32 to vector<16xf32>
      %parallel_loop3A_160 = arith.addf %parallel_loop3A_157, %parallel_loop3A_159 : vector<16xf32>
      %parallel_loop3A_161 = arith.mulf %parallel_loop3A_160, %parallel_loop3A_142 : vector<16xf32>
      %parallel_loop3A_162 = arith.constant 0.999792456 : f32
      %parallel_loop3A_163 = vector.broadcast %parallel_loop3A_162 : f32 to vector<16xf32>
      %parallel_loop3A_164 = arith.addf %parallel_loop3A_161, %parallel_loop3A_163 : vector<16xf32>
      %parallel_loop3A_165 = arith.mulf %parallel_loop3A_164, %parallel_loop3A_142 : vector<16xf32>
      %parallel_loop3A_166 = arith.constant 3.50755204E-6 : f32
      %parallel_loop3A_167 = vector.broadcast %parallel_loop3A_166 : f32 to vector<16xf32>
      %parallel_loop3A_168 = arith.addf %parallel_loop3A_165, %parallel_loop3A_167 : vector<16xf32>
      %parallel_loop3A_169 = arith.addf %parallel_loop3A_137, %parallel_loop3A_168 : vector<16xf32>
      %parallel_loop3A_170 = arith.constant 0.000000e+00 : f32
      %parallel_loop3A_171 = vector.broadcast %parallel_loop3A_170 : f32 to vector<16xf32>
      %parallel_loop3A_172 = arith.maximumf %parallel_loop3A_131, %parallel_loop3A_171 : vector<16xf32>
      %parallel_loop3A_173 = math.absf %parallel_loop3A_131 : vector<16xf32>
      %parallel_loop3A_174 = arith.constant 0.000000e+00 : f32
      %parallel_loop3A_175 = vector.broadcast %parallel_loop3A_174 : f32 to vector<16xf32>
      %parallel_loop3A_176 = arith.subf %parallel_loop3A_175, %parallel_loop3A_173 : vector<16xf32>
      %parallel_loop3A_177 = math.exp %parallel_loop3A_176 : vector<16xf32>
      %parallel_loop3A_178 = arith.constant -0.0172080602 : f32
      %parallel_loop3A_179 = vector.broadcast %parallel_loop3A_178 : f32 to vector<16xf32>
      %parallel_loop3A_180 = arith.mulf %parallel_loop3A_179, %parallel_loop3A_177 : vector<16xf32>
      %parallel_loop3A_181 = arith.constant 0.0817268118 : f32
      %parallel_loop3A_182 = vector.broadcast %parallel_loop3A_181 : f32 to vector<16xf32>
      %parallel_loop3A_183 = arith.addf %parallel_loop3A_180, %parallel_loop3A_182 : vector<16xf32>
      %parallel_loop3A_184 = arith.mulf %parallel_loop3A_183, %parallel_loop3A_177 : vector<16xf32>
      %parallel_loop3A_185 = arith.constant -0.188782677 : f32
      %parallel_loop3A_186 = vector.broadcast %parallel_loop3A_185 : f32 to vector<16xf32>
      %parallel_loop3A_187 = arith.addf %parallel_loop3A_184, %parallel_loop3A_186 : vector<16xf32>
      %parallel_loop3A_188 = arith.mulf %parallel_loop3A_187, %parallel_loop3A_177 : vector<16xf32>
      %parallel_loop3A_189 = arith.constant 0.314590544 : f32
      %parallel_loop3A_190 = vector.broadcast %parallel_loop3A_189 : f32 to vector<16xf32>
      %parallel_loop3A_191 = arith.addf %parallel_loop3A_188, %parallel_loop3A_190 : vector<16xf32>
      %parallel_loop3A_192 = arith.mulf %parallel_loop3A_191, %parallel_loop3A_177 : vector<16xf32>
      %parallel_loop3A_193 = arith.constant -0.496977925 : f32
      %parallel_loop3A_194 = vector.broadcast %parallel_loop3A_193 : f32 to vector<16xf32>
      %parallel_loop3A_195 = arith.addf %parallel_loop3A_192, %parallel_loop3A_194 : vector<16xf32>
      %parallel_loop3A_196 = arith.mulf %parallel_loop3A_195, %parallel_loop3A_177 : vector<16xf32>
      %parallel_loop3A_197 = arith.constant 0.999792456 : f32
      %parallel_loop3A_198 = vector.broadcast %parallel_loop3A_197 : f32 to vector<16xf32>
      %parallel_loop3A_199 = arith.addf %parallel_loop3A_196, %parallel_loop3A_198 : vector<16xf32>
      %parallel_loop3A_200 = arith.mulf %parallel_loop3A_199, %parallel_loop3A_177 : vector<16xf32>
      %parallel_loop3A_201 = arith.constant 3.50755204E-6 : f32
      %parallel_loop3A_202 = vector.broadcast %parallel_loop3A_201 : f32 to vector<16xf32>
      %parallel_loop3A_203 = arith.addf %parallel_loop3A_200, %parallel_loop3A_202 : vector<16xf32>
      %parallel_loop3A_204 = arith.addf %parallel_loop3A_172, %parallel_loop3A_203 : vector<16xf32>
      %parallel_loop3A_205 = arith.mulf %parallel_loop3A_123, %parallel_loop3A_169 : vector<16xf32>
      %parallel_loop3A_206 = arith.mulf %parallel_loop3A_125, %parallel_loop3A_204 : vector<16xf32>
      %parallel_loop3A_207 = arith.constant 2 : i32
      %parallel_loop3A_208 = arith.muli %parallel_loop3A_207, %parallel_loop3A_97 : i32
      %parallel_loop3A_209 = arith.constant 1 : i32
      %parallel_loop3A_210 = arith.addi %parallel_loop3A_208, %parallel_loop3A_209 : i32
      %parallel_loop3A_211 = arith.constant 16 : i32
      %parallel_loop3A_212 = arith.muli %parallel_loop3A_210, %parallel_loop3A_211 : i32
      %parallel_loop3A_213 = arith.constant 0 : i32
      %parallel_loop3A_214 = arith.index_cast %parallel_loop3A_213 : i32 to index
      %parallel_loop3A_215 = arith.index_cast %parallel_loop3A_212 : i32 to index
      %parallel_loop3A_216 = tpu.vector_load %arg11[%parallel_loop3A_214, %parallel_loop3A_215] {strides = array<i32>} : memref<2x5120xi32, #tpu.memory_space<vmem>>, vector<16xi32>,
      %parallel_loop3A_217 = arith.constant 1 : i32
      %parallel_loop3A_218 = arith.index_cast %parallel_loop3A_217 : i32 to index
      %parallel_loop3A_219 = arith.index_cast %parallel_loop3A_212 : i32 to index
      %parallel_loop3A_220 = tpu.vector_load %arg11[%parallel_loop3A_218, %parallel_loop3A_219] {strides = array<i32>} : memref<2x5120xi32, #tpu.memory_space<vmem>>, vector<16xi32>,
      %parallel_loop3A_221 = arith.constant 0 : i32
      %parallel_loop3A_222 = arith.index_cast %parallel_loop3A_221 : i32 to index
      %parallel_loop3A_223 = arith.index_cast %parallel_loop3A_212 : i32 to index
      %parallel_loop3A_224 = tpu.vector_load %arg12[%parallel_loop3A_222, %parallel_loop3A_223] {strides = array<i32>} : memref<2x5120xi32, #tpu.memory_space<vmem>>, vector<16xi32>,
      %parallel_loop3A_225 = arith.constant 1 : i32
      %parallel_loop3A_226 = arith.index_cast %parallel_loop3A_225 : i32 to index
      %parallel_loop3A_227 = arith.index_cast %parallel_loop3A_212 : i32 to index
      %parallel_loop3A_228 = tpu.vector_load %arg12[%parallel_loop3A_226, %parallel_loop3A_227] {strides = array<i32>} : memref<2x5120xi32, #tpu.memory_space<vmem>>, vector<16xi32>,
      %parallel_loop3A_229 = arith.index_cast %parallel_loop3A_212 : i32 to index
      %parallel_loop3A_230 = tpu.vector_load %arg13[%parallel_loop3A_229] {strides = array<i32>} : memref<5120xf32, #tpu.memory_space<vmem>>, vector<16xf32>,
      %parallel_loop3A_231 = arith.index_cast %parallel_loop3A_212 : i32 to index
      %parallel_loop3A_232 = tpu.vector_load %arg14[%parallel_loop3A_231] {strides = array<i32>} : memref<5120xf32, #tpu.memory_space<vmem>>, vector<16xf32>,
      %parallel_loop3A_233 = tpu.vector_load_idx %arg9[%parallel_loop3A_216] : memref<10000xf32, #tpu.memory_space<vmem>>[vector<16xi32>], vector<16xf32>,
      %parallel_loop3A_234 = tpu.vector_load_idx %arg10[%parallel_loop3A_220] : memref<10000xf32, #tpu.memory_space<vmem>>[vector<16xi32>], vector<16xf32>,
      %parallel_loop3A_235 = arith.addf %parallel_loop3A_233, %parallel_loop3A_234 : vector<16xf32>
      %parallel_loop3A_236 = tpu.vector_load_idx %arg9[%parallel_loop3A_224] : memref<10000xf32, #tpu.memory_space<vmem>>[vector<16xi32>], vector<16xf32>,
      %parallel_loop3A_237 = tpu.vector_load_idx %arg10[%parallel_loop3A_228] : memref<10000xf32, #tpu.memory_space<vmem>>[vector<16xi32>], vector<16xf32>,
      %parallel_loop3A_238 = arith.addf %parallel_loop3A_236, %parallel_loop3A_237 : vector<16xf32>
      %parallel_loop3A_239 = arith.constant 0.000000e+00 : f32
      %parallel_loop3A_240 = vector.broadcast %parallel_loop3A_239 : f32 to vector<16xf32>
      %parallel_loop3A_241 = arith.subf %parallel_loop3A_240, %parallel_loop3A_235 : vector<16xf32>
      %parallel_loop3A_242 = arith.constant 0.000000e+00 : f32
      %parallel_loop3A_243 = vector.broadcast %parallel_loop3A_242 : f32 to vector<16xf32>
      %parallel_loop3A_244 = arith.maximumf %parallel_loop3A_241, %parallel_loop3A_243 : vector<16xf32>
      %parallel_loop3A_245 = math.absf %parallel_loop3A_235 : vector<16xf32>
      %parallel_loop3A_246 = arith.constant 0.000000e+00 : f32
      %parallel_loop3A_247 = vector.broadcast %parallel_loop3A_246 : f32 to vector<16xf32>
      %parallel_loop3A_248 = arith.subf %parallel_loop3A_247, %parallel_loop3A_245 : vector<16xf32>
      %parallel_loop3A_249 = math.exp %parallel_loop3A_248 : vector<16xf32>
      %parallel_loop3A_250 = arith.constant -0.0172080602 : f32
      %parallel_loop3A_251 = vector.broadcast %parallel_loop3A_250 : f32 to vector<16xf32>
      %parallel_loop3A_252 = arith.mulf %parallel_loop3A_251, %parallel_loop3A_249 : vector<16xf32>
      %parallel_loop3A_253 = arith.constant 0.0817268118 : f32
      %parallel_loop3A_254 = vector.broadcast %parallel_loop3A_253 : f32 to vector<16xf32>
      %parallel_loop3A_255 = arith.addf %parallel_loop3A_252, %parallel_loop3A_254 : vector<16xf32>
      %parallel_loop3A_256 = arith.mulf %parallel_loop3A_255, %parallel_loop3A_249 : vector<16xf32>
      %parallel_loop3A_257 = arith.constant -0.188782677 : f32
      %parallel_loop3A_258 = vector.broadcast %parallel_loop3A_257 : f32 to vector<16xf32>
      %parallel_loop3A_259 = arith.addf %parallel_loop3A_256, %parallel_loop3A_258 : vector<16xf32>
      %parallel_loop3A_260 = arith.mulf %parallel_loop3A_259, %parallel_loop3A_249 : vector<16xf32>
      %parallel_loop3A_261 = arith.constant 0.314590544 : f32
      %parallel_loop3A_262 = vector.broadcast %parallel_loop3A_261 : f32 to vector<16xf32>
      %parallel_loop3A_263 = arith.addf %parallel_loop3A_260, %parallel_loop3A_262 : vector<16xf32>
      %parallel_loop3A_264 = arith.mulf %parallel_loop3A_263, %parallel_loop3A_249 : vector<16xf32>
      %parallel_loop3A_265 = arith.constant -0.496977925 : f32
      %parallel_loop3A_266 = vector.broadcast %parallel_loop3A_265 : f32 to vector<16xf32>
      %parallel_loop3A_267 = arith.addf %parallel_loop3A_264, %parallel_loop3A_266 : vector<16xf32>
      %parallel_loop3A_268 = arith.mulf %parallel_loop3A_267, %parallel_loop3A_249 : vector<16xf32>
      %parallel_loop3A_269 = arith.constant 0.999792456 : f32
      %parallel_loop3A_270 = vector.broadcast %parallel_loop3A_269 : f32 to vector<16xf32>
      %parallel_loop3A_271 = arith.addf %parallel_loop3A_268, %parallel_loop3A_270 : vector<16xf32>
      %parallel_loop3A_272 = arith.mulf %parallel_loop3A_271, %parallel_loop3A_249 : vector<16xf32>
      %parallel_loop3A_273 = arith.constant 3.50755204E-6 : f32
      %parallel_loop3A_274 = vector.broadcast %parallel_loop3A_273 : f32 to vector<16xf32>
      %parallel_loop3A_275 = arith.addf %parallel_loop3A_272, %parallel_loop3A_274 : vector<16xf32>
      %parallel_loop3A_276 = arith.addf %parallel_loop3A_244, %parallel_loop3A_275 : vector<16xf32>
      %parallel_loop3A_277 = arith.constant 0.000000e+00 : f32
      %parallel_loop3A_278 = vector.broadcast %parallel_loop3A_277 : f32 to vector<16xf32>
      %parallel_loop3A_279 = arith.maximumf %parallel_loop3A_238, %parallel_loop3A_278 : vector<16xf32>
      %parallel_loop3A_280 = math.absf %parallel_loop3A_238 : vector<16xf32>
      %parallel_loop3A_281 = arith.constant 0.000000e+00 : f32
      %parallel_loop3A_282 = vector.broadcast %parallel_loop3A_281 : f32 to vector<16xf32>
      %parallel_loop3A_283 = arith.subf %parallel_loop3A_282, %parallel_loop3A_280 : vector<16xf32>
      %parallel_loop3A_284 = math.exp %parallel_loop3A_283 : vector<16xf32>
      %parallel_loop3A_285 = arith.constant -0.0172080602 : f32
      %parallel_loop3A_286 = vector.broadcast %parallel_loop3A_285 : f32 to vector<16xf32>
      %parallel_loop3A_287 = arith.mulf %parallel_loop3A_286, %parallel_loop3A_284 : vector<16xf32>
      %parallel_loop3A_288 = arith.constant 0.0817268118 : f32
      %parallel_loop3A_289 = vector.broadcast %parallel_loop3A_288 : f32 to vector<16xf32>
      %parallel_loop3A_290 = arith.addf %parallel_loop3A_287, %parallel_loop3A_289 : vector<16xf32>
      %parallel_loop3A_291 = arith.mulf %parallel_loop3A_290, %parallel_loop3A_284 : vector<16xf32>
      %parallel_loop3A_292 = arith.constant -0.188782677 : f32
      %parallel_loop3A_293 = vector.broadcast %parallel_loop3A_292 : f32 to vector<16xf32>
      %parallel_loop3A_294 = arith.addf %parallel_loop3A_291, %parallel_loop3A_293 : vector<16xf32>
      %parallel_loop3A_295 = arith.mulf %parallel_loop3A_294, %parallel_loop3A_284 : vector<16xf32>
      %parallel_loop3A_296 = arith.constant 0.314590544 : f32
      %parallel_loop3A_297 = vector.broadcast %parallel_loop3A_296 : f32 to vector<16xf32>
      %parallel_loop3A_298 = arith.addf %parallel_loop3A_295, %parallel_loop3A_297 : vector<16xf32>
      %parallel_loop3A_299 = arith.mulf %parallel_loop3A_298, %parallel_loop3A_284 : vector<16xf32>
      %parallel_loop3A_300 = arith.constant -0.496977925 : f32
      %parallel_loop3A_301 = vector.broadcast %parallel_loop3A_300 : f32 to vector<16xf32>
      %parallel_loop3A_302 = arith.addf %parallel_loop3A_299, %parallel_loop3A_301 : vector<16xf32>
      %parallel_loop3A_303 = arith.mulf %parallel_loop3A_302, %parallel_loop3A_284 : vector<16xf32>
      %parallel_loop3A_304 = arith.constant 0.999792456 : f32
      %parallel_loop3A_305 = vector.broadcast %parallel_loop3A_304 : f32 to vector<16xf32>
      %parallel_loop3A_306 = arith.addf %parallel_loop3A_303, %parallel_loop3A_305 : vector<16xf32>
      %parallel_loop3A_307 = arith.mulf %parallel_loop3A_306, %parallel_loop3A_284 : vector<16xf32>
      %parallel_loop3A_308 = arith.constant 3.50755204E-6 : f32
      %parallel_loop3A_309 = vector.broadcast %parallel_loop3A_308 : f32 to vector<16xf32>
      %parallel_loop3A_310 = arith.addf %parallel_loop3A_307, %parallel_loop3A_309 : vector<16xf32>
      %parallel_loop3A_311 = arith.addf %parallel_loop3A_279, %parallel_loop3A_310 : vector<16xf32>
      %parallel_loop3A_312 = arith.mulf %parallel_loop3A_230, %parallel_loop3A_276 : vector<16xf32>
      %parallel_loop3A_313 = arith.mulf %parallel_loop3A_232, %parallel_loop3A_311 : vector<16xf32>
      %parallel_loop3A_314 = arith.addf %parallel_loop3A_98, %parallel_loop3A_205 : vector<16xf32>
      %parallel_loop3A_315 = arith.addf %parallel_loop3A_99, %parallel_loop3A_206 : vector<16xf32>
      %parallel_loop3A_316 = arith.addf %parallel_loop3A_100, %parallel_loop3A_312 : vector<16xf32>
      %parallel_loop3A_317 = arith.addf %parallel_loop3A_101, %parallel_loop3A_313 : vector<16xf32>
      scf.yield %parallel_loop3A_314, %parallel_loop3A_315, %parallel_loop3A_316, %parallel_loop3A_317 : vector<16xf32>, vector<16xf32>, vector<16xf32>, vector<16xf32>
    } {sc.loop_unroll_factor = 2 : i64, sc.parallel_access}
    %lt3A_87 = arith.constant 2 : i32
    %lt3A_88 = arith.cmpi slt, %add3A, %lt3A_87 : i32
    %jit3A = arith.constant 160 : i32
    %jit3A_89 = arith.constant 156 : i32
    %select_n3A = arith.select %lt3A_88, %jit3A, %jit3A_89 : i32
    %parallel_loop3A_90 = arith.constant 156 : i32
    %parallel_loop3A_91 = arith.constant 1 : i32
    %parallel_loop3A_92:4 = scf.for %parallel_loop3A_97 = %parallel_loop3A_90 to %select_n3A step %parallel_loop3A_91 iter_args(%parallel_loop3A_98 = %parallel_loop3A_86#0, %parallel_loop3A_99 = %parallel_loop3A_86#1, %parallel_loop3A_100 = %parallel_loop3A_86#2, %parallel_loop3A_101 = %parallel_loop3A_86#3) -> (vector<16xf32>, vector<16xf32>, vector<16xf32>, vector<16xf32>)  : i32 {
      %parallel_loop3A_102 = arith.constant 2 : i32
      %parallel_loop3A_103 = arith.muli %parallel_loop3A_102, %parallel_loop3A_97 : i32
      %parallel_loop3A_104 = arith.constant 16 : i32
      %parallel_loop3A_105 = arith.muli %parallel_loop3A_103, %parallel_loop3A_104 : i32
      %parallel_loop3A_106 = arith.constant 0 : i32
      %parallel_loop3A_107 = arith.index_cast %parallel_loop3A_106 : i32 to index
      %parallel_loop3A_108 = arith.index_cast %parallel_loop3A_105 : i32 to index
      %parallel_loop3A_109 = tpu.vector_load %arg11[%parallel_loop3A_107, %parallel_loop3A_108] {strides = array<i32>} : memref<2x5120xi32, #tpu.memory_space<vmem>>, vector<16xi32>,
      %parallel_loop3A_110 = arith.constant 1 : i32
      %parallel_loop3A_111 = arith.index_cast %parallel_loop3A_110 : i32 to index
      %parallel_loop3A_112 = arith.index_cast %parallel_loop3A_105 : i32 to index
      %parallel_loop3A_113 = tpu.vector_load %arg11[%parallel_loop3A_111, %parallel_loop3A_112] {strides = array<i32>} : memref<2x5120xi32, #tpu.memory_space<vmem>>, vector<16xi32>,
      %parallel_loop3A_114 = arith.constant 0 : i32
      %parallel_loop3A_115 = arith.index_cast %parallel_loop3A_114 : i32 to index
      %parallel_loop3A_116 = arith.index_cast %parallel_loop3A_105 : i32 to index
      %parallel_loop3A_117 = tpu.vector_load %arg12[%parallel_loop3A_115, %parallel_loop3A_116] {strides = array<i32>} : memref<2x5120xi32, #tpu.memory_space<vmem>>, vector<16xi32>,
      %parallel_loop3A_118 = arith.constant 1 : i32
      %parallel_loop3A_119 = arith.index_cast %parallel_loop3A_118 : i32 to index
      %parallel_loop3A_120 = arith.index_cast %parallel_loop3A_105 : i32 to index
      %parallel_loop3A_121 = tpu.vector_load %arg12[%parallel_loop3A_119, %parallel_loop3A_120] {strides = array<i32>} : memref<2x5120xi32, #tpu.memory_space<vmem>>, vector<16xi32>,
      %parallel_loop3A_122 = arith.index_cast %parallel_loop3A_105 : i32 to index
      %parallel_loop3A_123 = tpu.vector_load %arg13[%parallel_loop3A_122] {strides = array<i32>} : memref<5120xf32, #tpu.memory_space<vmem>>, vector<16xf32>,
      %parallel_loop3A_124 = arith.index_cast %parallel_loop3A_105 : i32 to index
      %parallel_loop3A_125 = tpu.vector_load %arg14[%parallel_loop3A_124] {strides = array<i32>} : memref<5120xf32, #tpu.memory_space<vmem>>, vector<16xf32>,
      %parallel_loop3A_126 = tpu.vector_load_idx %arg9[%parallel_loop3A_109] : memref<10000xf32, #tpu.memory_space<vmem>>[vector<16xi32>], vector<16xf32>,
      %parallel_loop3A_127 = tpu.vector_load_idx %arg10[%parallel_loop3A_113] : memref<10000xf32, #tpu.memory_space<vmem>>[vector<16xi32>], vector<16xf32>,
      %parallel_loop3A_128 = arith.addf %parallel_loop3A_126, %parallel_loop3A_127 : vector<16xf32>
      %parallel_loop3A_129 = tpu.vector_load_idx %arg9[%parallel_loop3A_117] : memref<10000xf32, #tpu.memory_space<vmem>>[vector<16xi32>], vector<16xf32>,
      %parallel_loop3A_130 = tpu.vector_load_idx %arg10[%parallel_loop3A_121] : memref<10000xf32, #tpu.memory_space<vmem>>[vector<16xi32>], vector<16xf32>,
      %parallel_loop3A_131 = arith.addf %parallel_loop3A_129, %parallel_loop3A_130 : vector<16xf32>
      %parallel_loop3A_132 = arith.constant 0.000000e+00 : f32
      %parallel_loop3A_133 = vector.broadcast %parallel_loop3A_132 : f32 to vector<16xf32>
      %parallel_loop3A_134 = arith.subf %parallel_loop3A_133, %parallel_loop3A_128 : vector<16xf32>
      %parallel_loop3A_135 = arith.constant 0.000000e+00 : f32
      %parallel_loop3A_136 = vector.broadcast %parallel_loop3A_135 : f32 to vector<16xf32>
      %parallel_loop3A_137 = arith.maximumf %parallel_loop3A_134, %parallel_loop3A_136 : vector<16xf32>
      %parallel_loop3A_138 = math.absf %parallel_loop3A_128 : vector<16xf32>
      %parallel_loop3A_139 = arith.constant 0.000000e+00 : f32
      %parallel_loop3A_140 = vector.broadcast %parallel_loop3A_139 : f32 to vector<16xf32>
      %parallel_loop3A_141 = arith.subf %parallel_loop3A_140, %parallel_loop3A_138 : vector<16xf32>
      %parallel_loop3A_142 = math.exp %parallel_loop3A_141 : vector<16xf32>
      %parallel_loop3A_143 = arith.constant -0.0172080602 : f32
      %parallel_loop3A_144 = vector.broadcast %parallel_loop3A_143 : f32 to vector<16xf32>
      %parallel_loop3A_145 = arith.mulf %parallel_loop3A_144, %parallel_loop3A_142 : vector<16xf32>
      %parallel_loop3A_146 = arith.constant 0.0817268118 : f32
      %parallel_loop3A_147 = vector.broadcast %parallel_loop3A_146 : f32 to vector<16xf32>
      %parallel_loop3A_148 = arith.addf %parallel_loop3A_145, %parallel_loop3A_147 : vector<16xf32>
      %parallel_loop3A_149 = arith.mulf %parallel_loop3A_148, %parallel_loop3A_142 : vector<16xf32>
      %parallel_loop3A_150 = arith.constant -0.188782677 : f32
      %parallel_loop3A_151 = vector.broadcast %parallel_loop3A_150 : f32 to vector<16xf32>
      %parallel_loop3A_152 = arith.addf %parallel_loop3A_149, %parallel_loop3A_151 : vector<16xf32>
      %parallel_loop3A_153 = arith.mulf %parallel_loop3A_152, %parallel_loop3A_142 : vector<16xf32>
      %parallel_loop3A_154 = arith.constant 0.314590544 : f32
      %parallel_loop3A_155 = vector.broadcast %parallel_loop3A_154 : f32 to vector<16xf32>
      %parallel_loop3A_156 = arith.addf %parallel_loop3A_153, %parallel_loop3A_155 : vector<16xf32>
      %parallel_loop3A_157 = arith.mulf %parallel_loop3A_156, %parallel_loop3A_142 : vector<16xf32>
      %parallel_loop3A_158 = arith.constant -0.496977925 : f32
      %parallel_loop3A_159 = vector.broadcast %parallel_loop3A_158 : f32 to vector<16xf32>
      %parallel_loop3A_160 = arith.addf %parallel_loop3A_157, %parallel_loop3A_159 : vector<16xf32>
      %parallel_loop3A_161 = arith.mulf %parallel_loop3A_160, %parallel_loop3A_142 : vector<16xf32>
      %parallel_loop3A_162 = arith.constant 0.999792456 : f32
      %parallel_loop3A_163 = vector.broadcast %parallel_loop3A_162 : f32 to vector<16xf32>
      %parallel_loop3A_164 = arith.addf %parallel_loop3A_161, %parallel_loop3A_163 : vector<16xf32>
      %parallel_loop3A_165 = arith.mulf %parallel_loop3A_164, %parallel_loop3A_142 : vector<16xf32>
      %parallel_loop3A_166 = arith.constant 3.50755204E-6 : f32
      %parallel_loop3A_167 = vector.broadcast %parallel_loop3A_166 : f32 to vector<16xf32>
      %parallel_loop3A_168 = arith.addf %parallel_loop3A_165, %parallel_loop3A_167 : vector<16xf32>
      %parallel_loop3A_169 = arith.addf %parallel_loop3A_137, %parallel_loop3A_168 : vector<16xf32>
      %parallel_loop3A_170 = arith.constant 0.000000e+00 : f32
      %parallel_loop3A_171 = vector.broadcast %parallel_loop3A_170 : f32 to vector<16xf32>
      %parallel_loop3A_172 = arith.maximumf %parallel_loop3A_131, %parallel_loop3A_171 : vector<16xf32>
      %parallel_loop3A_173 = math.absf %parallel_loop3A_131 : vector<16xf32>
      %parallel_loop3A_174 = arith.constant 0.000000e+00 : f32
      %parallel_loop3A_175 = vector.broadcast %parallel_loop3A_174 : f32 to vector<16xf32>
      %parallel_loop3A_176 = arith.subf %parallel_loop3A_175, %parallel_loop3A_173 : vector<16xf32>
      %parallel_loop3A_177 = math.exp %parallel_loop3A_176 : vector<16xf32>
      %parallel_loop3A_178 = arith.constant -0.0172080602 : f32
      %parallel_loop3A_179 = vector.broadcast %parallel_loop3A_178 : f32 to vector<16xf32>
      %parallel_loop3A_180 = arith.mulf %parallel_loop3A_179, %parallel_loop3A_177 : vector<16xf32>
      %parallel_loop3A_181 = arith.constant 0.0817268118 : f32
      %parallel_loop3A_182 = vector.broadcast %parallel_loop3A_181 : f32 to vector<16xf32>
      %parallel_loop3A_183 = arith.addf %parallel_loop3A_180, %parallel_loop3A_182 : vector<16xf32>
      %parallel_loop3A_184 = arith.mulf %parallel_loop3A_183, %parallel_loop3A_177 : vector<16xf32>
      %parallel_loop3A_185 = arith.constant -0.188782677 : f32
      %parallel_loop3A_186 = vector.broadcast %parallel_loop3A_185 : f32 to vector<16xf32>
      %parallel_loop3A_187 = arith.addf %parallel_loop3A_184, %parallel_loop3A_186 : vector<16xf32>
      %parallel_loop3A_188 = arith.mulf %parallel_loop3A_187, %parallel_loop3A_177 : vector<16xf32>
      %parallel_loop3A_189 = arith.constant 0.314590544 : f32
      %parallel_loop3A_190 = vector.broadcast %parallel_loop3A_189 : f32 to vector<16xf32>
      %parallel_loop3A_191 = arith.addf %parallel_loop3A_188, %parallel_loop3A_190 : vector<16xf32>
      %parallel_loop3A_192 = arith.mulf %parallel_loop3A_191, %parallel_loop3A_177 : vector<16xf32>
      %parallel_loop3A_193 = arith.constant -0.496977925 : f32
      %parallel_loop3A_194 = vector.broadcast %parallel_loop3A_193 : f32 to vector<16xf32>
      %parallel_loop3A_195 = arith.addf %parallel_loop3A_192, %parallel_loop3A_194 : vector<16xf32>
      %parallel_loop3A_196 = arith.mulf %parallel_loop3A_195, %parallel_loop3A_177 : vector<16xf32>
      %parallel_loop3A_197 = arith.constant 0.999792456 : f32
      %parallel_loop3A_198 = vector.broadcast %parallel_loop3A_197 : f32 to vector<16xf32>
      %parallel_loop3A_199 = arith.addf %parallel_loop3A_196, %parallel_loop3A_198 : vector<16xf32>
      %parallel_loop3A_200 = arith.mulf %parallel_loop3A_199, %parallel_loop3A_177 : vector<16xf32>
      %parallel_loop3A_201 = arith.constant 3.50755204E-6 : f32
      %parallel_loop3A_202 = vector.broadcast %parallel_loop3A_201 : f32 to vector<16xf32>
      %parallel_loop3A_203 = arith.addf %parallel_loop3A_200, %parallel_loop3A_202 : vector<16xf32>
      %parallel_loop3A_204 = arith.addf %parallel_loop3A_172, %parallel_loop3A_203 : vector<16xf32>
      %parallel_loop3A_205 = arith.mulf %parallel_loop3A_123, %parallel_loop3A_169 : vector<16xf32>
      %parallel_loop3A_206 = arith.mulf %parallel_loop3A_125, %parallel_loop3A_204 : vector<16xf32>
      %parallel_loop3A_207 = arith.constant 2 : i32
      %parallel_loop3A_208 = arith.muli %parallel_loop3A_207, %parallel_loop3A_97 : i32
      %parallel_loop3A_209 = arith.constant 1 : i32
      %parallel_loop3A_210 = arith.addi %parallel_loop3A_208, %parallel_loop3A_209 : i32
      %parallel_loop3A_211 = arith.constant 16 : i32
      %parallel_loop3A_212 = arith.muli %parallel_loop3A_210, %parallel_loop3A_211 : i32
      %parallel_loop3A_213 = arith.constant 0 : i32
      %parallel_loop3A_214 = arith.index_cast %parallel_loop3A_213 : i32 to index
      %parallel_loop3A_215 = arith.index_cast %parallel_loop3A_212 : i32 to index
      %parallel_loop3A_216 = tpu.vector_load %arg11[%parallel_loop3A_214, %parallel_loop3A_215] {strides = array<i32>} : memref<2x5120xi32, #tpu.memory_space<vmem>>, vector<16xi32>,
      %parallel_loop3A_217 = arith.constant 1 : i32
      %parallel_loop3A_218 = arith.index_cast %parallel_loop3A_217 : i32 to index
      %parallel_loop3A_219 = arith.index_cast %parallel_loop3A_212 : i32 to index
      %parallel_loop3A_220 = tpu.vector_load %arg11[%parallel_loop3A_218, %parallel_loop3A_219] {strides = array<i32>} : memref<2x5120xi32, #tpu.memory_space<vmem>>, vector<16xi32>,
      %parallel_loop3A_221 = arith.constant 0 : i32
      %parallel_loop3A_222 = arith.index_cast %parallel_loop3A_221 : i32 to index
      %parallel_loop3A_223 = arith.index_cast %parallel_loop3A_212 : i32 to index
      %parallel_loop3A_224 = tpu.vector_load %arg12[%parallel_loop3A_222, %parallel_loop3A_223] {strides = array<i32>} : memref<2x5120xi32, #tpu.memory_space<vmem>>, vector<16xi32>,
      %parallel_loop3A_225 = arith.constant 1 : i32
      %parallel_loop3A_226 = arith.index_cast %parallel_loop3A_225 : i32 to index
      %parallel_loop3A_227 = arith.index_cast %parallel_loop3A_212 : i32 to index
      %parallel_loop3A_228 = tpu.vector_load %arg12[%parallel_loop3A_226, %parallel_loop3A_227] {strides = array<i32>} : memref<2x5120xi32, #tpu.memory_space<vmem>>, vector<16xi32>,
      %parallel_loop3A_229 = arith.index_cast %parallel_loop3A_212 : i32 to index
      %parallel_loop3A_230 = tpu.vector_load %arg13[%parallel_loop3A_229] {strides = array<i32>} : memref<5120xf32, #tpu.memory_space<vmem>>, vector<16xf32>,
      %parallel_loop3A_231 = arith.index_cast %parallel_loop3A_212 : i32 to index
      %parallel_loop3A_232 = tpu.vector_load %arg14[%parallel_loop3A_231] {strides = array<i32>} : memref<5120xf32, #tpu.memory_space<vmem>>, vector<16xf32>,
      %parallel_loop3A_233 = tpu.vector_load_idx %arg9[%parallel_loop3A_216] : memref<10000xf32, #tpu.memory_space<vmem>>[vector<16xi32>], vector<16xf32>,
      %parallel_loop3A_234 = tpu.vector_load_idx %arg10[%parallel_loop3A_220] : memref<10000xf32, #tpu.memory_space<vmem>>[vector<16xi32>], vector<16xf32>,
      %parallel_loop3A_235 = arith.addf %parallel_loop3A_233, %parallel_loop3A_234 : vector<16xf32>
      %parallel_loop3A_236 = tpu.vector_load_idx %arg9[%parallel_loop3A_224] : memref<10000xf32, #tpu.memory_space<vmem>>[vector<16xi32>], vector<16xf32>,
      %parallel_loop3A_237 = tpu.vector_load_idx %arg10[%parallel_loop3A_228] : memref<10000xf32, #tpu.memory_space<vmem>>[vector<16xi32>], vector<16xf32>,
      %parallel_loop3A_238 = arith.addf %parallel_loop3A_236, %parallel_loop3A_237 : vector<16xf32>
      %parallel_loop3A_239 = arith.constant 0.000000e+00 : f32
      %parallel_loop3A_240 = vector.broadcast %parallel_loop3A_239 : f32 to vector<16xf32>
      %parallel_loop3A_241 = arith.subf %parallel_loop3A_240, %parallel_loop3A_235 : vector<16xf32>
      %parallel_loop3A_242 = arith.constant 0.000000e+00 : f32
      %parallel_loop3A_243 = vector.broadcast %parallel_loop3A_242 : f32 to vector<16xf32>
      %parallel_loop3A_244 = arith.maximumf %parallel_loop3A_241, %parallel_loop3A_243 : vector<16xf32>
      %parallel_loop3A_245 = math.absf %parallel_loop3A_235 : vector<16xf32>
      %parallel_loop3A_246 = arith.constant 0.000000e+00 : f32
      %parallel_loop3A_247 = vector.broadcast %parallel_loop3A_246 : f32 to vector<16xf32>
      %parallel_loop3A_248 = arith.subf %parallel_loop3A_247, %parallel_loop3A_245 : vector<16xf32>
      %parallel_loop3A_249 = math.exp %parallel_loop3A_248 : vector<16xf32>
      %parallel_loop3A_250 = arith.constant -0.0172080602 : f32
      %parallel_loop3A_251 = vector.broadcast %parallel_loop3A_250 : f32 to vector<16xf32>
      %parallel_loop3A_252 = arith.mulf %parallel_loop3A_251, %parallel_loop3A_249 : vector<16xf32>
      %parallel_loop3A_253 = arith.constant 0.0817268118 : f32
      %parallel_loop3A_254 = vector.broadcast %parallel_loop3A_253 : f32 to vector<16xf32>
      %parallel_loop3A_255 = arith.addf %parallel_loop3A_252, %parallel_loop3A_254 : vector<16xf32>
      %parallel_loop3A_256 = arith.mulf %parallel_loop3A_255, %parallel_loop3A_249 : vector<16xf32>
      %parallel_loop3A_257 = arith.constant -0.188782677 : f32
      %parallel_loop3A_258 = vector.broadcast %parallel_loop3A_257 : f32 to vector<16xf32>
      %parallel_loop3A_259 = arith.addf %parallel_loop3A_256, %parallel_loop3A_258 : vector<16xf32>
      %parallel_loop3A_260 = arith.mulf %parallel_loop3A_259, %parallel_loop3A_249 : vector<16xf32>
      %parallel_loop3A_261 = arith.constant 0.314590544 : f32
      %parallel_loop3A_262 = vector.broadcast %parallel_loop3A_261 : f32 to vector<16xf32>
      %parallel_loop3A_263 = arith.addf %parallel_loop3A_260, %parallel_loop3A_262 : vector<16xf32>
      %parallel_loop3A_264 = arith.mulf %parallel_loop3A_263, %parallel_loop3A_249 : vector<16xf32>
      %parallel_loop3A_265 = arith.constant -0.496977925 : f32
      %parallel_loop3A_266 = vector.broadcast %parallel_loop3A_265 : f32 to vector<16xf32>
      %parallel_loop3A_267 = arith.addf %parallel_loop3A_264, %parallel_loop3A_266 : vector<16xf32>
      %parallel_loop3A_268 = arith.mulf %parallel_loop3A_267, %parallel_loop3A_249 : vector<16xf32>
      %parallel_loop3A_269 = arith.constant 0.999792456 : f32
      %parallel_loop3A_270 = vector.broadcast %parallel_loop3A_269 : f32 to vector<16xf32>
      %parallel_loop3A_271 = arith.addf %parallel_loop3A_268, %parallel_loop3A_270 : vector<16xf32>
      %parallel_loop3A_272 = arith.mulf %parallel_loop3A_271, %parallel_loop3A_249 : vector<16xf32>
      %parallel_loop3A_273 = arith.constant 3.50755204E-6 : f32
      %parallel_loop3A_274 = vector.broadcast %parallel_loop3A_273 : f32 to vector<16xf32>
      %parallel_loop3A_275 = arith.addf %parallel_loop3A_272, %parallel_loop3A_274 : vector<16xf32>
      %parallel_loop3A_276 = arith.addf %parallel_loop3A_244, %parallel_loop3A_275 : vector<16xf32>
      %parallel_loop3A_277 = arith.constant 0.000000e+00 : f32
      %parallel_loop3A_278 = vector.broadcast %parallel_loop3A_277 : f32 to vector<16xf32>
      %parallel_loop3A_279 = arith.maximumf %parallel_loop3A_238, %parallel_loop3A_278 : vector<16xf32>
      %parallel_loop3A_280 = math.absf %parallel_loop3A_238 : vector<16xf32>
      %parallel_loop3A_281 = arith.constant 0.000000e+00 : f32
      %parallel_loop3A_282 = vector.broadcast %parallel_loop3A_281 : f32 to vector<16xf32>
      %parallel_loop3A_283 = arith.subf %parallel_loop3A_282, %parallel_loop3A_280 : vector<16xf32>
      %parallel_loop3A_284 = math.exp %parallel_loop3A_283 : vector<16xf32>
      %parallel_loop3A_285 = arith.constant -0.0172080602 : f32
      %parallel_loop3A_286 = vector.broadcast %parallel_loop3A_285 : f32 to vector<16xf32>
      %parallel_loop3A_287 = arith.mulf %parallel_loop3A_286, %parallel_loop3A_284 : vector<16xf32>
      %parallel_loop3A_288 = arith.constant 0.0817268118 : f32
      %parallel_loop3A_289 = vector.broadcast %parallel_loop3A_288 : f32 to vector<16xf32>
      %parallel_loop3A_290 = arith.addf %parallel_loop3A_287, %parallel_loop3A_289 : vector<16xf32>
      %parallel_loop3A_291 = arith.mulf %parallel_loop3A_290, %parallel_loop3A_284 : vector<16xf32>
      %parallel_loop3A_292 = arith.constant -0.188782677 : f32
      %parallel_loop3A_293 = vector.broadcast %parallel_loop3A_292 : f32 to vector<16xf32>
      %parallel_loop3A_294 = arith.addf %parallel_loop3A_291, %parallel_loop3A_293 : vector<16xf32>
      %parallel_loop3A_295 = arith.mulf %parallel_loop3A_294, %parallel_loop3A_284 : vector<16xf32>
      %parallel_loop3A_296 = arith.constant 0.314590544 : f32
      %parallel_loop3A_297 = vector.broadcast %parallel_loop3A_296 : f32 to vector<16xf32>
      %parallel_loop3A_298 = arith.addf %parallel_loop3A_295, %parallel_loop3A_297 : vector<16xf32>
      %parallel_loop3A_299 = arith.mulf %parallel_loop3A_298, %parallel_loop3A_284 : vector<16xf32>
      %parallel_loop3A_300 = arith.constant -0.496977925 : f32
      %parallel_loop3A_301 = vector.broadcast %parallel_loop3A_300 : f32 to vector<16xf32>
      %parallel_loop3A_302 = arith.addf %parallel_loop3A_299, %parallel_loop3A_301 : vector<16xf32>
      %parallel_loop3A_303 = arith.mulf %parallel_loop3A_302, %parallel_loop3A_284 : vector<16xf32>
      %parallel_loop3A_304 = arith.constant 0.999792456 : f32
      %parallel_loop3A_305 = vector.broadcast %parallel_loop3A_304 : f32 to vector<16xf32>
      %parallel_loop3A_306 = arith.addf %parallel_loop3A_303, %parallel_loop3A_305 : vector<16xf32>
      %parallel_loop3A_307 = arith.mulf %parallel_loop3A_306, %parallel_loop3A_284 : vector<16xf32>
      %parallel_loop3A_308 = arith.constant 3.50755204E-6 : f32
      %parallel_loop3A_309 = vector.broadcast %parallel_loop3A_308 : f32 to vector<16xf32>
      %parallel_loop3A_310 = arith.addf %parallel_loop3A_307, %parallel_loop3A_309 : vector<16xf32>
      %parallel_loop3A_311 = arith.addf %parallel_loop3A_279, %parallel_loop3A_310 : vector<16xf32>
      %parallel_loop3A_312 = arith.mulf %parallel_loop3A_230, %parallel_loop3A_276 : vector<16xf32>
      %parallel_loop3A_313 = arith.mulf %parallel_loop3A_232, %parallel_loop3A_311 : vector<16xf32>
      %parallel_loop3A_314 = arith.addf %parallel_loop3A_98, %parallel_loop3A_205 : vector<16xf32>
      %parallel_loop3A_315 = arith.addf %parallel_loop3A_99, %parallel_loop3A_206 : vector<16xf32>
      %parallel_loop3A_316 = arith.addf %parallel_loop3A_100, %parallel_loop3A_312 : vector<16xf32>
      %parallel_loop3A_317 = arith.addf %parallel_loop3A_101, %parallel_loop3A_313 : vector<16xf32>
      scf.yield %parallel_loop3A_314, %parallel_loop3A_315, %parallel_loop3A_316, %parallel_loop3A_317 : vector<16xf32>, vector<16xf32>, vector<16xf32>, vector<16xf32>
    } {sc.loop_unroll_factor = 1 : i64, sc.parallel_access}
    %add3A_93 = arith.addf %parallel_loop3A_92#0, %parallel_loop3A_92#1 : vector<16xf32>
    %add3A_94 = arith.addf %parallel_loop3A_92#2, %parallel_loop3A_92#3 : vector<16xf32>
    %add3A_95 = arith.addf %add3A_93, %add3A_94 : vector<16xf32>
    %swap3A = arith.constant 0 : index
    %swap3A_96 = tpu.vector_load %arg15[%swap3A] {strides = array<i32>} : memref<16xf32, #tpu.memory_space<vmem>>, vector<16xf32>,
    tpu.vector_store %arg15[%swap3A], %add3A_95 {strides = array<i32>} : memref<16xf32, #tpu.memory_space<vmem>>, vector<16xf32>,
    "tpu.region"() ({
      %run_scoped3A = tpu.sem_alloc : memref<!tpu.dma_semaphore, #tpu.memory_space<semaphore_mem>>
      %dma_start3A_97 = arith.constant 0 : i32
      %dma_start3A_98 = tpu.memref_slice %arg8[%add3A, %dma_start3A_97] : memref<32x16xf32, #tpu.memory_space<hbm>> -> memref<1x16xf32, #tpu.memory_space<hbm>>
      %dma_start3A_99 = tpu.memref_squeeze %dma_start3A_98 : memref<1x16xf32, #tpu.memory_space<hbm>> -> memref<16xf32, #tpu.memory_space<hbm>>
      %dma_start3A_100 = arith.constant 0 : i32
      %dma_start3A_101 = tpu.memref_slice %arg8[%add3A, %dma_start3A_100] : memref<32x16xf32, #tpu.memory_space<hbm>> -> memref<1x16xf32, #tpu.memory_space<hbm>>
      %dma_start3A_102 = tpu.memref_squeeze %dma_start3A_101 : memref<1x16xf32, #tpu.memory_space<hbm>> -> memref<16xf32, #tpu.memory_space<hbm>>
      tpu.enqueue_dma source(%arg15 : memref<16xf32, #tpu.memory_space<vmem>>) target(%dma_start3A_102 : memref<16xf32, #tpu.memory_space<hbm>>) target_semaphore(%run_scoped3A : memref<!tpu.dma_semaphore, #tpu.memory_space<semaphore_mem>>)
      %dma_wait3A_103 = arith.constant 0 : i32
      %dma_wait3A_104 = tpu.memref_slice %arg8[%add3A, %dma_wait3A_103] : memref<32x16xf32, #tpu.memory_space<hbm>> -> memref<1x16xf32, #tpu.memory_space<hbm>>
      %dma_wait3A_105 = tpu.memref_squeeze %dma_wait3A_104 : memref<1x16xf32, #tpu.memory_space<hbm>> -> memref<16xf32, #tpu.memory_space<hbm>>
      %dma_wait3A_106 = arith.constant 0 : i32
      %dma_wait3A_107 = tpu.memref_slice %arg8[%add3A, %dma_wait3A_106] : memref<32x16xf32, #tpu.memory_space<hbm>> -> memref<1x16xf32, #tpu.memory_space<hbm>>
      %dma_wait3A_108 = tpu.memref_squeeze %dma_wait3A_107 : memref<1x16xf32, #tpu.memory_space<hbm>> -> memref<16xf32, #tpu.memory_space<hbm>>
      tpu.wait_dma2 semaphore(%run_scoped3A : memref<!tpu.dma_semaphore, #tpu.memory_space<semaphore_mem>>) src(%arg15 : memref<16xf32, #tpu.memory_space<vmem>>) dst(%dma_wait3A_108 : memref<16xf32, #tpu.memory_space<hbm>>)
      tpu.yield
    }) : () -> ()
    return
  }
}

module attributes {stable_mosaic.version = 14 : i64} {
  func.func @_scores_body(%arg0: i32, %arg1: memref<2048x256xf32, #tpu.memory_space<vmem>>, %arg2: memref<1x512xf32, #tpu.memory_space<vmem>>, %arg3: memref<1xf32, #tpu.memory_space<smem>>, %arg4: memref<2048xf32, #tpu.memory_space<vmem>>, %arg5: memref<2048xf32, #tpu.memory_space<vmem>>) attributes {dimension_semantics = [#tpu.dimension_semantics<arbitrary>], iteration_bounds = array<i64: 5>, scalar_prefetch = 0 : i64, scratch_operands = 0 : i64, tpu.core_type = #tpu.core_type<tc>, window_params = [{transform_indices = @transform_0, window_bounds = array<i64: 2048, 256>}, {pipeline_mode = #tpu.pipeline_mode<synchronous>, transform_indices = @transform_1, window_bounds = array<i64: 1, 512>}, {transform_indices = @transform_2, window_bounds = array<i64: 1>}, {transform_indices = @transform_3, window_bounds = array<i64: 2048>}, {transform_indices = @transform_4, window_bounds = array<i64: 2048>}]} {
    %get3A = arith.constant 0 : index
    %get3A_0 = arith.constant 0 : index
    %get3A_1 = vector.load %arg1[%get3A, %get3A_0] : memref<2048x256xf32, #tpu.memory_space<vmem>>, vector<2048x256xf32>
    %get3A_2 = arith.constant 0 : index
    %get3A_3 = arith.constant 0 : index
    %get3A_4 = vector.load %arg2[%get3A_2, %get3A_3] : memref<1x512xf32, #tpu.memory_space<vmem>>, vector<1x256xf32>
    %mul3A = vector.broadcast %get3A_4 : vector<1x256xf32> to vector<2048x256xf32>
    %mul3A_5 = arith.mulf %get3A_1, %mul3A : vector<2048x256xf32>
    %reduce_sum3A = arith.constant dense<0.000000e+00> : vector<2048xf32>
    %reduce_sum3A_6 = vector.multi_reduction <add>, %mul3A_5, %reduce_sum3A [1] : vector<2048x256xf32> to vector<2048xf32>
    %get3A_7 = arith.constant 0 : index
    %get3A_8 = memref.load %arg3[%get3A_7] : memref<1xf32, #tpu.memory_space<smem>>
    %add3A = vector.broadcast %get3A_8 : f32 to vector<2048xf32>
    %add3A_9 = arith.addf %reduce_sum3A_6, %add3A : vector<2048xf32>
    %swap3A = arith.constant 0 : index
    %swap3A_10 = vector.load %arg4[%swap3A] : memref<2048xf32, #tpu.memory_space<vmem>>, vector<2048xf32>
    tpu.vector_store %arg4[%swap3A], %add3A_9 {strides = array<i32>} : memref<2048xf32, #tpu.memory_space<vmem>>, vector<2048xf32>,
    %get3A_11 = arith.constant 0 : index
    %get3A_12 = arith.constant 256 : index
    %get3A_13 = vector.load %arg2[%get3A_11, %get3A_12] : memref<1x512xf32, #tpu.memory_space<vmem>>, vector<1x256xf32>
    %mul3A_14 = vector.broadcast %get3A_13 : vector<1x256xf32> to vector<2048x256xf32>
    %mul3A_15 = arith.mulf %get3A_1, %mul3A_14 : vector<2048x256xf32>
    %reduce_sum3A_16 = arith.constant dense<0.000000e+00> : vector<2048xf32>
    %reduce_sum3A_17 = vector.multi_reduction <add>, %mul3A_15, %reduce_sum3A_16 [1] : vector<2048x256xf32> to vector<2048xf32>
    %swap3A_18 = arith.constant 0 : index
    %swap3A_19 = vector.load %arg5[%swap3A_18] : memref<2048xf32, #tpu.memory_space<vmem>>, vector<2048xf32>
    tpu.vector_store %arg5[%swap3A_18], %reduce_sum3A_17 {strides = array<i32>} : memref<2048xf32, #tpu.memory_space<vmem>>, vector<2048xf32>,
    return
  }
  func.func @transform_0(%arg0: i32) -> (i32, i32) {
    %c0_i32 = arith.constant 0 : i32
    %c0_i32_0 = arith.constant 0 : i32
    return %arg0, %c0_i32 : i32, i32
  }
  func.func @transform_1(%arg0: i32) -> (i32, i32) {
    %c0_i32 = arith.constant 0 : i32
    %c0_i32_0 = arith.constant 0 : i32
    %c0_i32_1 = arith.constant 0 : i32
    return %c0_i32, %c0_i32_0 : i32, i32
  }
  func.func @transform_2(%arg0: i32) -> i32 {
    %c0_i32 = arith.constant 0 : i32
    %c0_i32_0 = arith.constant 0 : i32
    return %c0_i32 : i32
  }
  func.func @transform_3(%arg0: i32) -> i32 {
    %c0_i32 = arith.constant 0 : i32
    return %arg0 : i32
  }
  func.func @transform_4(%arg0: i32) -> i32 {
    %c0_i32 = arith.constant 0 : i32
    return %arg0 : i32
  }
}

</mosaic_0001>

<sc_bundles>
// kernel: kernel.4.cloned.1.call-start
scs
__scs_entry_jumppad:
0x0: {  	(pc) =	sbr.rel $0x88, $3  }
0x1: {  	(tag) =	ssettag $0x0;
	lr =	simm.s32 $0x1  }
0x2: {  	[smem:$0x3F9A] =	sst lr;
	_ =	strace $0xD0000000  }
0x3: {  	_ = 	snop  }
0x4: {  	_ = 	snop  }
0x5: {  	_ = 	snop  }
0x6: {  	_ = 	snop  }
0x7: {  	_ = 	snop  }
__scs_overlays_trampoline_lowered:
0x8: {  	[smem:$0x3FA9] =	sst s0  }
0x9: {  	[smem:$0x3FAA] =	sst s1  }
0xa: {  	[smem:$0x3FAB] =	sst s2  }
0xb: {  	[smem:$0x3FAC] =	sst s3  }
0xc: {  	[smem:$0x3FAD] =	sst s4  }
0xd: {  	[smem:$0x3FAE] =	sst s5  }
0xe: {  	[smem:$0x3FAF] =	sst s6  }
0xf: {  	[smem:$0x3FB0] =	sst s7  }
0x10: {  	[smem:$0x3FB1] =	sst s8  }
0x11: {  	[smem:$0x3FB2] =	sst s9;
	s0 =	simm.s32 @!p0 $0x0  }
0x12: {  	s1 =	sld [smem:$0x3F98];
	s0 =	simm.s32 @p0 $0x1  }
0x13: {  	[smem:$0x3FB3] =	sst s0;
	s0 =	simm.s32 @!p1 $0x0  }
0x14: {  	s2 =	sld [smem:$0x3F97];
	s0 =	simm.s32 @p1 $0x1  }
0x15: {  	[smem:$0x3FB4] =	sst s0;
	s0 =	simm.s32 @!p2 $0x0  }
0x16: {  	s3 =	sld [smem:$0x3FDB];
	s0 =	simm.s32 @p2 $0x1  }
0x17: {  	s4 =	simm.s32 $0x1BF5;
	[smem:$0x3FB6] =	sst s0  }
0x18: {  	s0 =	sld [smem:$0x3F99];
	_ =	swait.ge [sflag:s4], $0x0  }
0x19: {  	s7 =	sld [smem:$0x3F9A]  }
0x1a: {  	s8 =	sadd.s32 $0xFFFFE003, lr  }
0x1b: {  	s9 =	sadd.s32 $0xFFFFFEF7, lr;
	s5 =	simm.s32 $0xFFFFFFFF;
	p2 =	slt.u32 s8, $0xFFFFF086  }
0x1c: {  	p1 =	slt.u32 s9, $0xF7A;
	s5 =	simm.s32 @!p2 $0x0  }
0x1d: {  	s5 =	simm.s32 @p1 $0x1;
	p0 =	seq.s32 s7, s2  }
0x1e: {  	s7 =	smul.u32 @!p0 $0xF7A, s2;
	p2 =	seq.s32 @!p0 s5, $0x0  }
0x1f: {  	s9 =	smul.u32 $0xF7A, s1;
	s8 =	simm.s32 @!p0 $0x1BF5;
	p2 =	por !p2, p0  }
0x20: {  	[sflag:s8] =	ssyncset.s32 @!p0 $0xFFFFF086;
	s6 =	sadd.s32 @!p0 s3, s7;
	s7 =	simm.s32 @!p0 $0x108  }
0x21: {  	s3 =	sadd.s32 s3, s9;
	s6 =	sadd.s32 @!p0 $0x88, s6;
	s7 =	simm.s32 @p2 $0x1082  }
0x22: {  	[simem:s7], [sflag:s8] =	dma.local @!p0 [hbm:s6], $0xF7A  }
0x23: {  	s9 =	sor.u32 $0xD0000000, s2;
	s6 =	simm.s32 $0x108;
	_ =	swait.ge @!p0 [sflag:s8], $0x0  }
0x24: {  	s3 =	sadd.s32 $0x88, s3;
	s6 =	simm.s32 @!p1 $0x1082;
	[sflag:s4] =	ssyncset.s32 $0xFFFFF086  }
0x25: {  	[simem:s6], [sflag:s4] =	dma.local [hbm:s3], $0xF7A  }
0x26: {  	[smem:$0x3F9A] =	sst s1;
	(tag) =	ssettag s2;
	_ =	strace s9  }
0x27: {  	s1 =	sld [smem:$0x3FAA]  }
0x28: {  	s2 =	sld [smem:$0x3FAB]  }
0x29: {  	s4 =	sld [smem:$0x3FAD]  }
0x2a: {  	p0 =	seq.s32 s5, $0x0;
	s5 =	sld [smem:$0x3FAE]  }
0x2b: {  	s6 =	sld [smem:$0x3FAF]  }
0x2c: {  	s7 =	sld [smem:$0x3FB0]  }
0x2d: {  	s3 =	simm.s32 $0x108;
	s8 =	sld [smem:$0x3FB1]  }
0x2e: {  	s3 =	simm.s32 @!p0 $0x1082;
	s9 =	sld [smem:$0x3FB2]  }
0x2f: {  	lr =	sadd.s32 s0, s3;
	s0 =	sld [smem:$0x3FA9]  }
0x30: {  	s3 =	sld [smem:$0x3FAC]  }
0x31: {  	[smem:$0x3FB5] =	sst s10  }
0x32: {  	s10 =	sld [smem:$0x3FB3];
	_ =	sdelay $0x3  }
0x33: {  	p0 =	seq.s32 s10, $0x1;
	s10 =	sld [smem:$0x3FB5];
	_ =	sdelay $0x3  }
0x34: {  	[smem:$0x3FB5] =	sst s10  }
0x35: {  	s10 =	sld [smem:$0x3FB4];
	_ =	sdelay $0x3  }
0x36: {  	p1 =	seq.s32 s10, $0x1;
	s10 =	sld [smem:$0x3FB5];
	_ =	sdelay $0x3  }
0x37: {  	[smem:$0x3FB5] =	sst s10  }
0x38: {  	s10 =	sld [smem:$0x3FB6]  }
0x39: {  	_ = 	snop;
	(pc) =	sbr.ind lr, $3  }
0x3a: {  	_ = 	snop  }
0x3b: {  	_ = 	snop  }
0x3c: {  	p2 =	seq.s32 s10, $0x1;
	s10 =	sld [smem:$0x3FB5]  }
0x3d: {  	_ =	shalt  }
0x3e: {  	_ =	shalt  }
0x3f: {  	_ =	shalt  }
0x40: {  	_ =	shalt  }
0x41: {  	_ =	shalt  }
0x42: {  	_ =	shalt  }
0x43: {  	_ =	shalt  }
0x44: {  	_ =	shalt  }
0x45: {  	_ =	shalt  }
0x46: {  	_ =	shalt  }
0x47: {  	_ =	shalt  }
0x48: {  	_ =	shalt  }
0x49: {  	_ =	shalt  }
0x4a: {  	_ =	shalt  }
0x4b: {  	_ =	shalt  }
0x4c: {  	_ =	shalt  }
0x4d: {  	_ =	shalt  }
0x4e: {  	_ =	shalt  }
0x4f: {  	_ =	shalt  }
0x50: {  	_ =	shalt  }
0x51: {  	_ =	shalt  }
0x52: {  	_ =	shalt  }
0x53: {  	_ =	shalt  }
0x54: {  	_ =	shalt  }
0x55: {  	_ =	shalt  }
0x56: {  	_ =	shalt  }
0x57: {  	_ =	shalt  }
0x58: {  	_ =	shalt  }
0x59: {  	_ =	shalt  }
0x5a: {  	_ =	shalt  }
0x5b: {  	_ =	shalt  }
0x5c: {  	_ =	shalt  }
0x5d: {  	_ =	shalt  }
0x5e: {  	_ =	shalt  }
0x5f: {  	_ =	shalt  }
0x60: {  	_ =	shalt  }
0x61: {  	_ =	shalt  }
0x62: {  	_ =	shalt  }
0x63: {  	_ =	shalt  }
0x64: {  	_ =	shalt  }
0x65: {  	_ =	shalt  }
0x66: {  	_ =	shalt  }
0x67: {  	_ =	shalt  }
0x68: {  	_ =	shalt  }
0x69: {  	_ =	shalt  }
0x6a: {  	_ =	shalt  }
0x6b: {  	_ =	shalt  }
0x6c: {  	_ =	shalt  }
0x6d: {  	_ =	shalt  }
0x6e: {  	_ =	shalt  }
0x6f: {  	_ =	shalt  }
0x70: {  	_ =	shalt  }
0x71: {  	_ =	shalt  }
0x72: {  	_ =	shalt  }
0x73: {  	_ =	shalt  }
0x74: {  	_ =	shalt  }
0x75: {  	_ =	shalt  }
0x76: {  	_ =	shalt  }
0x77: {  	_ =	shalt  }
0x78: {  	_ =	shalt  }
0x79: {  	_ =	shalt  }
0x7a: {  	_ =	shalt  }
0x7b: {  	_ =	shalt  }
0x7c: {  	_ =	shalt  }
0x7d: {  	_ =	shalt  }
0x7e: {  	_ =	shalt  }
0x7f: {  	_ =	shalt  }
0x80: {  	_ =	shalt  }
0x81: {  	_ =	shalt  }
0x82: {  	_ =	shalt  }
0x83: {  	_ =	shalt  }
0x84: {  	_ =	shalt  }
0x85: {  	_ =	shalt  }
0x86: {  	_ =	shalt  }
0x87: {  	_ =	shalt  }
.Lfunc_end0:
.L_simem_size_0:
called_computation_lowered:
.L_overlay_start_0:
0x88: {  	s2 =	sld [smem:$0x3FD9]  }
0x89: {  	s3 =	sld [smem:$0x3FFE];
	_ =	sdelay $0x1  }
0x8a: {  	s1 =	srdreg.scid  }
0x8b: {  	s0 =	sand.u32 $0x1, s1  }
0x8c: {  	s17 =	sshll.u32 s0, $0xA;
	s2 =	sadd.s32 s3, s2  }
0x8d: {  	s2 =	sadd.s32 s2, s17  }
0x8e: {  	[smem:$0x3FC1] =	sst s2  }
0x8f: {  	_ = 	snop  }
0x90: {  	s2 =	sld [smem:$0x3FC8]  }
0x91: {  	s18 =	sld [smem:$0x3FC7];
	(tm) =	ssettm $0x1  }
0x92: {  	s4 =	sld [smem:$0x3FFB];
	_ =	sdelay $0x3  }
0x93: {  	_ =	strace s4  }
0x94: {  	s4 =	sld [smem:$0x3FFC];
	_ =	sdelay $0x3  }
0x95: {  	_ =	strace s4  }
0x96: {  	s4 =	sld [smem:$0x3FFD];
	_ =	sdelay $0x3  }
0x97: {  	_ =	strace s4  }
0x98: {  	_ =	strace $0x8FFFFFFF  }
0x99: {  	s19 =	sld [smem:$0x3FDB];
	_ =	sdelay $0x1  }
0x9a: {  	s5 =	simm.s32 $_scs_section_size  }
0x9b: {  	s6 =	simm.s32 $_size__tile_overlayer_lowered;
	s7 =	simm.s32 $_tile_overlayer_lowered  }
0x9c: {  	s22 =	simm.s32 $0x1BFF;
	s21 =	sshll.u32 s7, $0x1;
	s4 =	sadd.s32 s5, s19  }
0x9d: {  	s8 =	simm.s32 $0x0;
	s20 =	sshll.u32 s6, $0x1;
	s6 =	sadd.s32 s21, s4  }
0x9e: {  	[timem:s8], [sflag:s22] =	dma.local [hbm:s6], s20  }
0x9f: {  	_ =	swait.ge [sflag:s22], s20  }
0xa0: {  	s5 =	ssub.s32 $0x0, s20;
	[sflag:s22] =	ssyncset.done $0x0  }
0xa1: {  	[sflag:s22] =	ssyncadd.s32 s5;
	_ =	sdelay $0x1  }
0xa2: {  	s23 =	simm.s32 $0x1B8B  }
0xa3: {  	_ =	swait.ge [sflag:s23], $0x1  }
0xa4: {  	[sflag:s23] =	ssyncset.done $0x0  }
0xa5: {  	s25 =	simm.s32 $0x1B8E;
	s24 =	sld [smem:$0x3FFE];
	[sflag:s23] =	ssyncadd.s32 $0xFFFFFFFF  }
0xa6: {  	s26 =	simm.s32 $execute0_lowered;
	[smem:$0x3FD2] =	sst s25  }
0xa7: {  	s6 =	sshll.u32 s26, $0x1;
	_ =	strace $0x80000046;
	[dreg:$0x1] =	wrdreg $0xFFFFFFFF  }
0xa8: {  	s28 =	simm.s32 $_size_execute0_lowered;
	s4 =	sadd.s32 s4, s6;
	[dreg:$0x0] =	wrdreg $0x0  }
0xa9: {  	s6 =	sshll.u32 s28, $0x1;
	[dreg:$0x2] =	wrdreg s4  }
0xaa: {  	[dreg:$0x3] =	wrdreg s6  }
0xab: {  	[dreg:$0x4] =	wrdreg $0xC0  }
0xac: {  	_ =	task [dreg:s8], $0x5FFFF  }
0xad: {  	[dreg:$0x1] =	wrdreg $0xFFFFFFFF  }
0xae: {  	[dreg:$0x0] =	wrdreg $0x60  }
0xaf: {  	[dreg:$0x2] =	wrdreg s24  }
0xb0: {  	[dreg:$0x3] =	wrdreg s2  }
0xb1: {  	[dreg:$0x4] =	wrdreg s18  }
0xb2: {  	[dreg:$0x5] =	wrdreg $0x9  }
0xb3: {  	_ =	task.clear_ibuf [dreg:s8], $0x6FFFF;
	_ =	strace $0x90000046  }
0xb4: {  	s29 =	simm.s32 $0x9;
	_ =	strace $0x80000048  }
0xb5: {  	_ =	swait.ge [sflag:s29], $0x1  }
0xb6: {  	[sflag:s29] =	ssyncadd.s32 $0xFFFFFFFF  }
0xb7: {  	_ =	strace $0x90000048  }
0xb8: {  	_ =	sfence  }
0xb9: {  	s30 =	sld [smem:$0x0];
	_ =	sdelay $0x2  }
0xba: {  	s31 =	sshll.u32 s1, $0xD;
	s1 =	sshrl.u32 s1, $0x2  }
0xbb: {  	s3 =	sand.u32 $0x4000, s31;
	s1 =	sadd.s32 s1, s30  }
0xbc: {  	s0 =	sor.u32 s3, s0;
	s1 =	sshll.u32 s1, $0x11  }
0xbd: {  	s0 =	sor.u32 s1, s0  }
0xbe: {  	s0 =	sadd.s32 $0x8F2B, s0  }
0xbf: {  	[sflag:s0] =	ssyncadd.remote.s32 $0x1  }
0xc0: {  	_ =	sfence.sel $0xFFFF  }
0xc1: {  	[dreg:$0x0] =	wrdreg $0xFFFFFFFF;
	(pc) =	sbr.abs _section_cstart, $3  }
0xc2: {  	[dreg:$0x1] =	wrdreg $0xFFFFFFFF  }
0xc3: {  	_ =	task.clear_ibuf [dreg:s8], $0x2FFFF;
	_ =	strace $0x9FFFFFFF  }
0xc4: {  	(tm) =	ssettm $0x7FFFFFFF  }
0xc5: {  	_ =	shalt  }
tec
execute0_lowered:
.L_overlay_start_1:
0x0: {  	(tag) =	ssettag $0x1  }
0x1: {  	s0 =	rddreg [dreg:$0x0]  }
0x2: {  	s2 =	rddreg [dreg:$0x1]  }
0x3: {  	s3 =	rddreg [dreg:$0x2];
	s1 =	simm.s32 $0x0  }
0x4: {  	s4 =	srdreg.scid;
	s14 =	stileid.u32;
	s19 =	simm.s32 $0x1  }
0x5: {  	s21 =	simm.s32 $0x2;
	[smem:$0x7FF] =	sst s1;
	s5 =	sadd.s32 $0xA000, s0  }
0x6: {  	s22 =	sand.u32 $0x1, s4;
	s23 =	sshll.u32 s14, $0x1;
	s6 =	sadd.s32 $0xA600, s0  }
0x7: {  	s11 =	sadd.s32 $0x5000, s0;
	_ =	strace $0x80000047;
	[dreg:$0x4] =	wrdreg s5  }
0x8: {  	p0 =	sne.s32 s14, $0x0;
	s14 =	simm.s32 $0x2780;
	[dreg:$0x5] =	wrdreg s6  }
0x9: {  	s4 =	sor.u32 s22, s23;
	s7 =	ssub.s32 $0x2, s22;
	s10 =	sor.u32 $0x4E0, s22  }
0xa: {  	s22 =	simm.s32 $0x0;
	s24 =	sshll.u32 s4, $0x4;
	s8 =	smul.u32 $0x4E0, s4  }
0xb: {  	s25 =	sshrl.u32 s7, $0x1;
	s9 =	smul.u32 $0x270, s4;
	s15 =	sshll.u32 s10, $0x5  }
0xc: {  	s31 =	sshll.u32 s10, $0x4;
	s12 =	sadd.s32 s24, s0;
	s13 =	ssub.s32 s7, s25  }
.Ltmp0:
0xd: {  	s10 =	sadd.s32 s0, s31;
	s26 =	sadd.s32 s2, s8;
	(pc) =	sbr.rel .LBB2_1-.Ltmp0, $4  }
0xe: {  	s28 =	sadd.s32 s3, s8;
	s29 =	sadd.s32 s0, s9;
	[dreg:$0x6] =	wrdreg s26  }
0xf: {  	s30 =	sadd.s32 s11, s9;
	s8 =	sadd.s32 s2, s15;
	[dreg:$0x7] =	wrdreg s28  }
0x10: {  	s9 =	sadd.s32 s3, s15;
	s11 =	sadd.s32 s11, s31;
	[dreg:$0x8] =	wrdreg s29  }
0x11: {  	s12 =	sadd.s32 $0xAC00, s12;
	s13 =	smax.u32 s13, $0x1;
	[dreg:$0x9] =	wrdreg s30  }
.LBB2_6:
0x12: {  	(erf) = vpow2.f32 v19;
	v32 =	vmul.f32 $1.442695020e+00, v23  }
0x13: {  	(erf) = vpow2.f32 v21  }
0x14: {  	(erf) = vpow2.f32 v32  }
0x15: {  	(erf) = vpow2.f32 v17;
	_ =	sdelay $0x3  }
0x16: {  	v34 =	vmul.f32 v20, v12;
	v36 =	vadd.f32 $9.997924560e-01, v22  }
0x17: {  	v33 =	vmul.f32 v18, v10  }
0x18: {  	v15 =	vmul.f32 v15, v8;
	v18 =	vadd.f32 $9.997924560e-01, v34;
	v13 =	vmul.f32 v36, v13;
	v35 =	vpop (erf)  }
0x19: {  	v16 =	vxor.u32 $0x80000000, v16;
	v9 =	vmax.f32 v9, $0.0e+00;
	v21 =	vpop (erf)  }
0x1a: {  	v15 =	vadd.f32 $-4.969779250e-01, v15;
	v40 =	vmul.f32 v18, v12;
	v13 =	vadd.f32 $3.507552040e-06, v13;
	v39 =	vpop (erf)  }
0x1b: {  	v17 =	vadd.f32 $9.997924560e-01, v33;
	v41 =	vmul.f32 $1.720806020e-02, v35;
	v37 =	vmul.f32 $1.720806020e-02, v21;
	v42 =	vpop (erf)  }
0x1c: {  	v9 =	vadd.f32 v13, v9;
	v43 =	vmul.f32 $1.720806020e-02, v39;
	v24 =	vmul.f32 $1.720806020e-02, v42  }
0x1d: {  	v15 =	vmul.f32 v15, v8;
	v18 =	vsub.f32 $8.172681180e-02, v41;
	v22 =	vsub.f32 $8.172681180e-02, v37  }
0x1e: {  	v38 =	vmul.f32 v17, v10;
	v23 =	vsub.f32 $8.172681180e-02, v43;
	v24 =	vsub.f32 $8.172681180e-02, v24  }
0x1f: {  	v15 =	vadd.f32 $9.997924560e-01, v15;
	v18 =	vmul.f32 v18, v35;
	v22 =	vmul.f32 v22, v21  }
0x20: {  	v10 =	vadd.f32 $3.507552040e-06, v38;
	v23 =	vmul.f32 v23, v39;
	v24 =	vmul.f32 v24, v42  }
0x21: {  	v14 =	vxor.u32 $0x80000000, v14;
	v44 =	vadd.f32 $-1.887826770e-01, v18;
	v22 =	vadd.f32 $-1.887826770e-01, v22  }
0x22: {  	v5 =	vmax.f32 v5, $0.0e+00;
	v23 =	vadd.f32 $-1.887826770e-01, v23;
	v24 =	vadd.f32 $-1.887826770e-01, v24  }
0x23: {  	v12 =	vadd.f32 $3.507552040e-06, v40;
	v13 =	vmul.f32 v44, v35;
	v45 =	vmul.f32 v22, v21  }
0x24: {  	s2 =	sadd.s32 s23, s2;
	v5 =	vadd.f32 v10, v5;
	v23 =	vmul.f32 v23, v39;
	v47 =	vmul.f32 v24, v42  }
0x25: {  	v6 =	vmax.f32 v6, $0.0e+00;
	v48 =	vld [tilespmem:s2+$0xB310];
	v13 =	vadd.f32 $3.145905440e-01, v13;
	v18 =	vadd.f32 $3.145905440e-01, v45  }
0x26: {  	v49 =	vmul.f32 v15, v8;
	v50 =	vadd.f32 $3.145905440e-01, v23;
	v10 =	vadd.f32 $3.145905440e-01, v47  }
0x27: {  	v4 =	vmax.f32 v4, $0.0e+00;
	v13 =	vmul.f32 v13, v35;
	v18 =	vmul.f32 v18, v21  }
0x28: {  	v46 =	vld [tilespmem:s2+$0x9F10];
	v6 =	vadd.f32 v12, v6;
	v15 =	vmul.f32 v50, v39;
	v10 =	vmul.f32 v10, v42  }
0x29: {  	v11 =	vmax.f32 v11, $0.0e+00;
	v13 =	vadd.f32 $-4.969779250e-01, v13;
	v18 =	vadd.f32 $-4.969779250e-01, v18  }
0x2a: {  	v5 =	vmul.f32 v5, v48;
	v15 =	vadd.f32 $-4.969779250e-01, v15;
	v10 =	vadd.f32 $-4.969779250e-01, v10  }
0x2b: {  	v8 =	vadd.f32 $3.507552040e-06, v49;
	v51 =	vmul.f32 v13, v35;
	v18 =	vmul.f32 v18, v21  }
0x2c: {  	v53 =	vld [tilespmem:s23+$0xB280];
	v2 =	vadd.f32 v5, v2;
	v54 =	vmul.f32 v15, v39;
	v10 =	vmul.f32 v10, v42  }
0x2d: {  	v55 =	vld [tilespmem:s23+$0xC680];
	s31 =	sand.u32 $0x3FFFFF80, s24;
	v9 =	vmul.f32 v9, v46;
	v5 =	vadd.f32 $9.997924560e-01, v51;
	v52 =	vadd.f32 $9.997924560e-01, v18  }
0x2e: {  	v57 =	vld [tilespmem:s0+$0xC680];
	v7 =	vmax.f32 v7, $0.0e+00;
	s2 =	sadd.s32 s0, s31;
	v12 =	vadd.f32 $9.997924560e-01, v54;
	v10 =	vadd.f32 $9.997924560e-01, v10  }
0x2f: {  	v58 =	vld [tilespmem:s2+$0x9F10];
	v3 =	vadd.f32 v9, v3;
	v5 =	vmul.f32 v5, v35;
	v56 =	vmul.f32 v52, v21  }
0x30: {  	v59 =	vld [tilespmem:s2+$0xB310];
	v4 =	vadd.f32 v8, v4;
	v12 =	vmul.f32 v12, v39;
	v10 =	vmul.f32 v10, v42  }
0x31: {  	v60 =	vld [tilespmem:s0+$0xB280];
	v14 =	vmax.f32 v14, $0.0e+00;
	v5 =	vadd.f32 $3.507552040e-06, v5;
	v9 =	vadd.f32 $3.507552040e-06, v56  }
0x32: {  	v61 =	vmax.f32 v16, $0.0e+00;
	v12 =	vadd.f32 $3.507552040e-06, v12;
	v10 =	vadd.f32 $3.507552040e-06, v10  }
0x33: {  	v6 =	vmul.f32 v6, v53;
	v5 =	vadd.f32 v5, v11;
	v9 =	vadd.f32 v9, v14  }
0x34: {  	v4 =	vmul.f32 v4, v55;
	v62 =	vadd.f32 v12, v61;
	v7 =	vadd.f32 v10, v7  }
0x35: {  	v1 =	vadd.f32 v6, v1;
	v5 =	vmul.f32 v5, v59;
	v63 =	vmul.f32 v9, v58  }
0x36: {  	v0 =	vadd.f32 v4, v0;
	v4 =	vmul.f32 v62, v60;
	v7 =	vmul.f32 v7, v57  }
0x37: {  	v2 =	vadd.f32 v5, v2;
	v3 =	vadd.f32 v63, v3  }
0x38: {  	v1 =	vadd.f32 v4, v1;
	v0 =	vadd.f32 v7, v0  }
.LBB2_7:
0x39: {  	_ = 	snop  }
0x3a: {  	v63 =	vadd.f32 v2, v3;
	v0 =	vadd.f32 v0, v1;
	_ =	sdelay $0x1  }
0x3b: {  	s22 =	sadd.s32 $0x1, s22;
	v0 =	vadd.f32 v63, v0  }
0x3c: {  	p1 =	seq.s32 s22, s13  }
.Ltmp1:
0x3d: {  	s0 =	simm.s32 $0xC700;
	[tilespmem:$0xC700] =	vst v0;
	(pc) =	sbr.rel @p1 .LBB2_8-.Ltmp1, $4  }
0x3e: {  	[hbm4b:s12+s1] =	stream.linear.scatter [tilespmem:s0], [sflag:$0x2], $0x80, $0x38;
	[tilespmem:$0xC780] =	vst v63  }
0x3f: {  	_ =	swait.ge [sflag:s21], $0x80  }
0x40: {  	[sflag:s21] =	ssyncset.done $0x0  }
0x41: {  	[sflag:s21] =	ssyncadd.s32 $0xFFFFFF80  }
.LBB2_1:
0x42: {  	s0 =	rddreg [dreg:$0x4]  }
0x43: {  	[tilespmem:s1], [sflag:$0x1] =	stream.linear.gather [hbm4b:s0+s1], $0x2780, $0x38;
	[tilespmem:$0xC780] =	vst v63  }
0x44: {  	s23 =	rddreg [dreg:$0x5]  }
0x45: {  	[tilespmem:s14], [sflag:$0x1] =	stream.linear.gather [hbm4b:s23+s1], $0x2780, $0x38;
	[tilespmem:$0xC780] =	vst v63  }
0x46: {  	s24 =	rddreg [dreg:$0x6];
	s2 =	simm.s32 $0x4F00  }
0x47: {  	[tilespmem:s2], [sflag:$0x1] =	stream.linear.gather [hbm4b:s24+s1], $0x2700, $0x38;
	[tilespmem:$0xC780] =	vst v63  }
0x48: {  	s25 =	rddreg [dreg:$0x7];
	s26 =	simm.s32 $0x7700  }
0x49: {  	[tilespmem:s26], [sflag:$0x1] =	stream.linear.gather [hbm4b:s25+s1], $0x2700, $0x38;
	[tilespmem:$0xC780] =	vst v63  }
0x4a: {  	s3 =	simm.s32 $0x9F00;
	s2 =	rddreg [dreg:$0x8]  }
0x4b: {  	[tilespmem:s3], [sflag:$0x1] =	stream.linear.gather [hbm4b:s2+s1], $0x1380, $0x38;
	[tilespmem:$0xC780] =	vst v63  }
0x4c: {  	s4 =	rddreg [dreg:$0x9];
	s5 =	simm.s32 $0xB300  }
0x4d: {  	[tilespmem:s5], [sflag:$0x1] =	stream.linear.gather [hbm4b:s4+s1], $0x1380, $0x38;
	[tilespmem:$0xC780] =	vst v63  }
0x4e: {  	s0 =	simm.s32 @!p0 $0x0;
	s2 =	simm.s32 @!p0 $0x7600  }
0x4f: {  	[tilespmem:s2], [sflag:$0x2] =	stream.linear.gather @!p0 [hbm4b:s8+s0], $0x100, $0x38;
	[tilespmem:$0xC780] =	vst v63  }
0x50: {  	s2 =	simm.s32 @!p0 $0x2  }
0x51: {  	_ =	swait.ge @!p0 [sflag:s2], $0x100  }
0x52: {  	[sflag:s2] =	ssyncset.done @!p0 $0x0  }
0x53: {  	s3 =	simm.s32 @!p0 $0x9E00;
	[sflag:s2] =	ssyncadd.s32 @!p0 $0xFFFFFF00  }
0x54: {  	[tilespmem:s3], [sflag:$0x2] =	stream.linear.gather @!p0 [hbm4b:s9+s0], $0x100, $0x38;
	[tilespmem:$0xC780] =	vst v63  }
0x55: {  	_ =	swait.ge @!p0 [sflag:s2], $0x100  }
0x56: {  	[sflag:s2] =	ssyncset.done @!p0 $0x0  }
0x57: {  	s3 =	simm.s32 @!p0 $0xB280;
	[sflag:s2] =	ssyncadd.s32 @!p0 $0xFFFFFF00  }
0x58: {  	[tilespmem:s3], [sflag:$0x2] =	stream.linear.gather @!p0 [hbm4b:s10+s0], $0x80, $0x38;
	[tilespmem:$0xC780] =	vst v63  }
0x59: {  	_ =	swait.ge @!p0 [sflag:s2], $0x80  }
0x5a: {  	[sflag:s2] =	ssyncset.done @!p0 $0x0  }
0x5b: {  	s3 =	simm.s32 @!p0 $0xC680;
	[sflag:s2] =	ssyncadd.s32 @!p0 $0xFFFFFF80  }
0x5c: {  	[tilespmem:s3], [sflag:$0x2] =	stream.linear.gather @!p0 [hbm4b:s11+s0], $0x80, $0x38;
	[tilespmem:$0xC780] =	vst v63  }
0x5d: {  	_ =	swait.ge @!p0 [sflag:s2], $0x80  }
0x5e: {  	[sflag:s2] =	ssyncset.done @!p0 $0x0  }
0x5f: {  	[sflag:s2] =	ssyncadd.s32 @!p0 $0xFFFFFF80  }
0x60: {  	_ =	swait.ge [sflag:s19], $0x2780  }
0x61: {  	[sflag:s19] =	ssyncset.done $0x0  }
0x62: {  	[sflag:s19] =	ssyncadd.s32 $0xFFFFD880  }
0x63: {  	_ =	swait.ge [sflag:s19], $0x2780  }
0x64: {  	[sflag:s19] =	ssyncset.done $0x0  }
0x65: {  	[sflag:s19] =	ssyncadd.s32 $0xFFFFD880  }
0x66: {  	_ =	swait.ge [sflag:s19], $0x2700  }
0x67: {  	[sflag:s19] =	ssyncset.done $0x0  }
0x68: {  	[sflag:s19] =	ssyncadd.s32 $0xFFFFD900  }
0x69: {  	_ =	swait.ge [sflag:s19], $0x2700  }
0x6a: {  	[sflag:s19] =	ssyncset.done $0x0  }
0x6b: {  	[sflag:s19] =	ssyncadd.s32 $0xFFFFD900  }
0x6c: {  	_ =	swait.ge [sflag:s19], $0x1380  }
0x6d: {  	p1 =	por $0x0, $0x0;
	s0 =	simm.s32 $0x1;
	[sflag:s19] =	ssyncset.done $0x0  }
0x6e: {  	s0 =	simm.s32 @!p1 $0x0;
	[sflag:s19] =	ssyncadd.s32 $0xFFFFEC80  }
0x6f: {  	s0 =	sshll.u32 s0, $0x6;
	_ =	swait.ge [sflag:s19], $0x1380  }
0x70: {  	s0 =	sadd.s32 $0x0, s0;
	[sflag:s19] =	ssyncset.done $0x0  }
0x71: {  	s6 =	simm.s32 $0x20;
	s7 =	sor.u32 $0x80, s0;
	[sflag:s19] =	ssyncadd.s32 $0xFFFFEC80  }
0x72: {  	s16 =	simm.s32 $0x0;
	s17 =	sand.u32 $0x3F00, s1;
	s2 =	sand.u32 $0x60, s6;
	v0 =	vld [tilespmem:s7+$0x7700]  }
0x73: {  	s15 =	sand.u32 $0x3, s1;
	s18 =	sand.u32 $0x40, s16;
	s20 =	sor.u32 s17, s2;
	v1 =	vld [tilespmem:s7+$0x4F00]  }
0x74: {  	s23 =	sshll.u32 s15, $0x5;
	s24 =	sor.u32 $0x10, s18;
	v2 =	vld [tilespmem:s20+$0x4F00]  }
0x75: {  	s3 =	sadd.s32 $0x0, s23;
	s23 =	sor.u32 s17, s24;
	s0 =	sadd.s32 $0x10, s0;
	v3 =	vld [tilespmem:s20+$0x7700]  }
0x76: {  	s0 =	sor.u32 $0x80, s0;
	v4 =	vld [tilespmem:s23+$0x4F00]  }
0x77: {  	v5 =	vld [tilespmem:s0+$0x7700]  }
0x78: {  	s18 =	sor.u32 s18, s17;
	s25 =	sadd.s32 $0x20, s3;
	s3 =	sadd.s32 $0x30, s3;
	v8 =	vld [tilespmem:s0+$0x4F00]  }
0x79: {  	s3 =	sor.u32 $0x80, s3;
	v9 =	vld [tilespmem:s18+$0x7700]  }
0x7a: {  	s20 =	sor.u32 $0x80, s25;
	v10 =	vld [tilespmem:s3+$0x4F00]  }
0x7b: {  	v6 =	vld [tilespmem:s20+$0x4F00]  }
0x7c: {  	s0 =	sor.u32 $0x10, s2;
	v7 =	vld [tilespmem:s20+$0x7700]  }
0x7d: {  	v11 =	vld [tilespmem:s18+$0x4F00];
	s2 =	sor.u32 s17, s0  }
0x7e: {  	v13 =	vld [tilespmem:s2+$0x4F00]  }
0x7f: {  	v2 =	vld.idx.msk [tilespmem:v2+s1+$0x0], $0xffff  }
0x80: {  	v0 =	vld.idx.msk [tilespmem:v0+s14+$0x0], $0xffff  }
0x81: {  	v1 =	vld.idx.msk [tilespmem:v1+s14+$0x0], $0xffff  }
0x82: {  	v3 =	vld.idx.msk [tilespmem:v3+s1+$0x0], $0xffff  }
0x83: {  	v6 =	vld.idx.msk [tilespmem:v6+s14+$0x0], $0xffff  }
0x84: {  	v7 =	vld.idx.msk [tilespmem:v7+s14+$0x0], $0xffff  }
0x85: {  	v8 =	vld.idx.msk [tilespmem:v8+s14+$0x0], $0xffff  }
0x86: {  	v4 =	vld.idx.msk [tilespmem:v4+s1+$0x0], $0xffff  }
0x87: {  	v9 =	vld.idx.msk [tilespmem:v9+s1+$0x0], $0xffff  }
0x88: {  	v6 =	vadd.f32 v6, v2;
	v2 =	vld.idx.msk [tilespmem:v11+s1+$0x0], $0xffff  }
0x89: {  	v12 =	vld [tilespmem:s23+$0x7700];
	v7 =	vadd.f32 v7, v3  }
0x8a: {  	v3 =	vld.idx.msk [tilespmem:v10+s14+$0x0], $0xffff;
	v10 =	vand.u32 $0x7FFFFFFF, v6  }
0x8b: {  	v14 =	vadd.f32 v8, v4;
	v11 =	vld.idx.msk [tilespmem:v13+s1+$0x0], $0xffff;
	v13 =	vand.u32 $0x7FFFFFFF, v7;
	v10 =	vsub.f32 $0.0e+00, v10  }
0x8c: {  	v8 =	vadd.f32 v0, v9;
	v4 =	vsub.f32 $0.0e+00, v13  }
0x8d: {  	v0 =	vmul.f32 $1.442695020e+00, v10;
	v9 =	vadd.f32 v1, v2;
	v1 =	vand.u32 $0x7FFFFFFF, v14  }
0x8e: {  	v13 =	vand.u32 $0x7FFFFFFF, v8;
	v10 =	vmul.f32 $1.442695020e+00, v4;
	v1 =	vsub.f32 $0.0e+00, v1  }
0x8f: {  	v2 =	vld [tilespmem:s3+$0x7700];
	(erf) = vpow2.f32 v0;
	v0 =	vsub.f32 $0.0e+00, v13  }
0x90: {  	v15 =	vld [tilespmem:s2+$0x7700];
	v4 =	vadd.f32 v3, v11;
	(erf) = vpow2.f32 v10;
	v1 =	vmul.f32 $1.442695020e+00, v1  }
0x91: {  	v3 =	vld.idx.msk [tilespmem:v5+s14+$0x0], $0xffff;
	v5 =	vand.u32 $0x7FFFFFFF, v9;
	v0 =	vmul.f32 $1.442695020e+00, v0  }
0x92: {  	v11 =	vand.u32 $0x7FFFFFFF, v4;
	v10 =	vld.idx.msk [tilespmem:v12+s1+$0x0], $0xffff;
	v5 =	vsub.f32 $0.0e+00, v5;
	(erf) = vpow2.f32 v1  }
0x93: {  	v1 =	vsub.f32 $0.0e+00, v11;
	(erf) = vpow2.f32 v0  }
0x94: {  	v5 =	vmul.f32 $1.442695020e+00, v5  }
0x95: {  	v1 =	vmul.f32 $1.442695020e+00, v1  }
0x96: {  	(erf) = vpow2.f32 v5  }
0x97: {  	v0 =	vadd.f32 v3, v10;
	v2 =	vld.idx.msk [tilespmem:v2+s14+$0x0], $0xffff;
	(erf) = vpow2.f32 v1  }
0x98: {  	v3 =	vld.idx.msk [tilespmem:v15+s1+$0x0], $0xffff;
	v5 =	vpop (erf)  }
0x99: {  	v1 =	vand.u32 $0x7FFFFFFF, v0;
	v13 =	vpop (erf)  }
0x9a: {  	v1 =	vsub.f32 $0.0e+00, v1;
	v11 =	vmul.f32 $1.720806020e-02, v13  }
0x9b: {  	v10 =	vpop (erf)  }
0x9c: {  	v17 =	vmul.f32 $1.720806020e-02, v5;
	v12 =	vmul.f32 $1.442695020e+00, v1;
	v15 =	vsub.f32 $8.172681180e-02, v11;
	v16 =	vpop (erf)  }
0x9d: {  	v7 =	vmax.f32 v7, $0.0e+00;
	v2 =	vadd.f32 v2, v3;
	v3 =	vmul.f32 $1.720806020e-02, v16  }
0x9e: {  	s26 =	simm.s32 $0xB320;
	s4 =	simm.s32 $0x80;
	s6 =	simm.s32 $0x60;
	v17 =	vsub.f32 $8.172681180e-02, v17;
	(erf) = vpow2.f32 v12;
	v12 =	vmul.f32 v15, v13  }
0x9f: {  	s5 =	simm.s32 $0x2;
	p1 =	por !p1, !p1;
	s18 =	sand.u32 $0x60, s6;
	v11 =	vxor.u32 $0x80000000, v6;
	v20 =	vmul.f32 $1.720806020e-02, v10;
	v6 =	vpop (erf);
	v3 =	vsub.f32 $8.172681180e-02, v3  }
0xa0: {  	v22 =	vld [tilespmem:s26+$0x0];
	s20 =	sand.u32 $0x1F80, s16;
	s17 =	sand.u32 $0x3F00, s4;
	s2 =	simm.s32 $0x1;
	v17 =	vmul.f32 v17, v5;
	v15 =	vand.u32 $0x7FFFFFFF, v2;
	v18 =	vpop (erf);
	v19 =	vadd.f32 $-1.887826770e-01, v12  }
0xa1: {  	v23 =	vld [tilespmem:s26+$0xFFFFFFE0];
	s16 =	sand.u32 $0x3, s5;
	s23 =	sor.u32 s17, s18;
	s2 =	simm.s32 @!p1 $0x0;
	v20 =	vsub.f32 $8.172681180e-02, v20;
	v21 =	vmul.f32 $1.720806020e-02, v18;
	v3 =	vmul.f32 v3, v16  }
0xa2: {  	s31 =	sor.u32 s20, s24;
	s16 =	sshll.u32 s16, $0x5;
	v27 =	vld [tilespmem:s23+$0x4F00];
	s2 =	sshll.u32 s2, $0x6;
	v15 =	vsub.f32 $0.0e+00, v15;
	v17 =	vadd.f32 $-1.887826770e-01, v17;
	v19 =	vmul.f32 v19, v13  }
0xa3: {  	s5 =	sor.u32 s20, s0;
	s24 =	sadd.s32 $0x80, s16;
	v29 =	vld [tilespmem:s23+$0x7700];
	s2 =	sadd.s32 $0x80, s2;
	v8 =	vmax.f32 v8, $0.0e+00;
	v21 =	vsub.f32 $8.172681180e-02, v21;
	v3 =	vadd.f32 $-1.887826770e-01, v3  }
0xa4: {  	v33 =	vld [tilespmem:s5+$0x9F00];
	s25 =	sadd.s32 $0x20, s24;
	s7 =	sor.u32 $0x80, s2;
	v20 =	vmul.f32 v20, v10;
	v15 =	vmul.f32 $1.442695020e+00, v15;
	v19 =	vadd.f32 $3.145905440e-01, v19  }
0xa5: {  	v25 =	vld [tilespmem:s7+$0x4F00];
	v14 =	vxor.u32 $0x80000000, v14;
	s3 =	sor.u32 $0x80, s25;
	v17 =	vmul.f32 v17, v5;
	v21 =	vmul.f32 v21, v18  }
0xa6: {  	v30 =	vld [tilespmem:s3+$0x4F00];
	v14 =	vmax.f32 v14, $0.0e+00;
	v26 =	vmul.f32 v3, v16;
	v19 =	vmul.f32 v19, v13  }
0xa7: {  	s26 =	simm.s32 $0x40;
	v31 =	vld [tilespmem:s3+$0x7700];
	v20 =	vadd.f32 $-1.887826770e-01, v20;
	(erf) = vpow2.f32 v15;
	v21 =	vadd.f32 $-1.887826770e-01, v21;
	v3 =	vpop (erf)  }
0xa8: {  	s4 =	sand.u32 $0x40, s26;
	s2 =	sadd.s32 $0x10, s2;
	v26 =	vadd.f32 $3.145905440e-01, v26;
	v28 =	vmul.f32 $1.720806020e-02, v3;
	v19 =	vadd.f32 $-4.969779250e-01, v19  }
0xa9: {  	s6 =	sor.u32 $0x10, s4;
	v24 =	vld [tilespmem:s7+$0x7700];
	s2 =	sor.u32 $0x80, s2;
	v17 =	vadd.f32 $3.145905440e-01, v17;
	v20 =	vmul.f32 v20, v10;
	v21 =	vmul.f32 v21, v18  }
0xaa: {  	s7 =	sor.u32 s17, s6;
	v32 =	vld [tilespmem:s2+$0x7700];
	v26 =	vmul.f32 v26, v16;
	v28 =	vsub.f32 $8.172681180e-02, v28;
	v19 =	vmul.f32 v19, v13  }
0xab: {  	v35 =	vld [tilespmem:s7+$0x4F00];
	v34 =	vmul.f32 v17, v5;
	v20 =	vadd.f32 $3.145905440e-01, v20;
	v21 =	vadd.f32 $3.145905440e-01, v21  }
0xac: {  	v27 =	vld.idx.msk [tilespmem:v27+s1+$0x0], $0xffff;
	v26 =	vadd.f32 $-4.969779250e-01, v26;
	v15 =	vmul.f32 v28, v3;
	v19 =	vadd.f32 $9.997924560e-01, v19  }
0xad: {  	v25 =	vld.idx.msk [tilespmem:v25+s14+$0x0], $0xffff;
	v4 =	vxor.u32 $0x80000000, v4;
	v20 =	vmul.f32 v20, v10;
	v21 =	vmul.f32 v21, v18  }
0xae: {  	v30 =	vld.idx.msk [tilespmem:v30+s14+$0x0], $0xffff;
	v17 =	vmul.f32 v26, v16;
	v15 =	vadd.f32 $-1.887826770e-01, v15;
	v13 =	vmul.f32 v19, v13  }
0xaf: {  	v31 =	vld.idx.msk [tilespmem:v31+s14+$0x0], $0xffff;
	v36 =	vmul.f32 $1.720806020e-02, v6;
	v19 =	vadd.f32 $-4.969779250e-01, v20;
	v21 =	vadd.f32 $-4.969779250e-01, v21  }
0xb0: {  	v12 =	vxor.u32 $0x80000000, v9;
	v28 =	vld [tilespmem:s2+$0x4F00];
	v17 =	vadd.f32 $9.997924560e-01, v17;
	v13 =	vadd.f32 $3.507552040e-06, v13  }
0xb1: {  	s3 =	sor.u32 s4, s17;
	v9 =	vld [tilespmem:s31+$0x9F00];
	v36 =	vsub.f32 $8.172681180e-02, v36;
	v21 =	vmul.f32 v21, v18;
	v15 =	vmul.f32 v15, v3  }
0xb2: {  	s20 =	sadd.s32 $0x30, s24;
	v26 =	vld [tilespmem:s3+$0x7700];
	v16 =	vmul.f32 v17, v16;
	v7 =	vadd.f32 v13, v7;
	v13 =	vmul.f32 v19, v10  }
0xb3: {  	v36 =	vmul.f32 v36, v6;
	s2 =	sor.u32 $0x80, s20;
	v19 =	vld [tilespmem:s3+$0x4F00];
	v17 =	vadd.f32 $9.997924560e-01, v21;
	v21 =	vadd.f32 $3.145905440e-01, v15  }
0xb4: {  	v4 =	vmax.f32 v4, $0.0e+00;
	v37 =	vld [tilespmem:s2+$0x4F00];
	v16 =	vadd.f32 $3.507552040e-06, v16;
	v13 =	vadd.f32 $9.997924560e-01, v13  }
0xb5: {  	s25 =	sor.u32 $0x10, s18;
	v18 =	vmul.f32 v17, v18;
	v15 =	vpop (erf);
	v17 =	vmul.f32 v21, v3;
	v21 =	vld.idx.msk [tilespmem:v29+s1+$0x0], $0xffff;
	v29 =	vadd.f32 $-1.887826770e-01, v36  }
0xb6: {  	s24 =	sor.u32 s17, s25;
	v20 =	vld [tilespmem:s2+$0x7700];
	v7 =	vmul.f32 v7, v22;
	v8 =	vadd.f32 v16, v8;
	v16 =	vmul.f32 $1.720806020e-02, v15  }
0xb7: {  	v22 =	vadd.f32 v30, v27;
	v27 =	vld [tilespmem:s24+$0x7700];
	v18 =	vadd.f32 $3.507552040e-06, v18;
	v29 =	vmul.f32 v29, v6  }
0xb8: {  	v63 =	vmax.f32 v12, $0.0e+00;
	v28 =	vld.idx.msk [tilespmem:v28+s14+$0x0], $0xffff;
	v10 =	vmul.f32 v13, v10;
	v16 =	vsub.f32 $8.172681180e-02, v16  }
0xb9: {  	v8 =	vmul.f32 v8, v23;
	v23 =	vld [tilespmem:s7+$0x7700];
	v4 =	vadd.f32 v18, v4;
	v18 =	vadd.f32 $3.145905440e-01, v29  }
0xba: {  	v30 =	vand.u32 $0x7FFFFFFF, v22;
	v29 =	vld [tilespmem:s24+$0x4F00];
	v10 =	vadd.f32 $3.507552040e-06, v10;
	v16 =	vmul.f32 v16, v15  }
0xbb: {  	v13 =	vadd.f32 v31, v21;
	v21 =	vsub.f32 $0.0e+00, v30;
	v19 =	vld.idx.msk [tilespmem:v19+s1+$0x0], $0xffff;
	v18 =	vmul.f32 v18, v6  }
0xbc: {  	v30 =	vmul.f32 v4, v33;
	v4 =	vxor.u32 $0x80000000, v22;
	v22 =	vld.idx.msk [tilespmem:v35+s1+$0x0], $0xffff;
	v10 =	vadd.f32 v10, v14  }
0xbd: {  	v24 =	vld.idx.msk [tilespmem:v24+s14+$0x0], $0xffff;
	v21 =	vmul.f32 $1.442695020e+00, v21;
	v31 =	vand.u32 $0x7FFFFFFF, v13;
	v12 =	vadd.f32 $-1.887826770e-01, v16  }
0xbe: {  	v32 =	vld.idx.msk [tilespmem:v32+s14+$0x0], $0xffff;
	v18 =	vadd.f32 $-4.969779250e-01, v18;
	v16 =	vsub.f32 $0.0e+00, v31  }
0xbf: {  	v14 =	vld.idx.msk [tilespmem:v26+s1+$0x0], $0xffff;
	v31 =	vadd.f32 $-4.969779250e-01, v34;
	(erf) = vpow2.f32 v21;
	v12 =	vmul.f32 v12, v15  }
0xc0: {  	v20 =	vld.idx.msk [tilespmem:v20+s14+$0x0], $0xffff;
	v18 =	vmul.f32 v18, v6;
	v16 =	vmul.f32 $1.442695020e+00, v16;
	v21 =	vadd.f32 v25, v19  }
0xc1: {  	v19 =	vld.idx.msk [tilespmem:v23+s1+$0x0], $0xffff;
	v23 =	vmul.f32 v31, v5;
	v22 =	vadd.f32 v28, v22;
	v28 =	vmul.f32 v10, v9  }
0xc2: {  	v25 =	vld.idx.msk [tilespmem:v37+s14+$0x0], $0xffff;
	v9 =	vadd.f32 $3.145905440e-01, v12;
	v18 =	vadd.f32 $9.997924560e-01, v18;
	v26 =	vand.u32 $0x7FFFFFFF, v21  }
0xc3: {  	(erf) = vpow2.f32 v16;
	v16 =	vld.idx.msk [tilespmem:v29+s1+$0x0], $0xffff;
	v12 =	vadd.f32 $9.997924560e-01, v23;
	v10 =	vsub.f32 $0.0e+00, v26  }
0xc4: {  	v27 =	vld.idx.msk [tilespmem:v27+s1+$0x0], $0xffff;
	v6 =	vmul.f32 v18, v6;
	v18 =	vand.u32 $0x7FFFFFFF, v22;
	v26 =	vadd.f32 v24, v14  }
0xc5: {  	v23 =	vmul.f32 v9, v15;
	v9 =	vsub.f32 $0.0e+00, v18  }
0xc6: {  	v1 =	vimm.f32 $0.0e+00;
	v24 =	vmul.f32 v12, v5;
	v5 =	vand.u32 $0x7FFFFFFF, v26  }
0xc7: {  	v11 =	vmax.f32 v11, $0.0e+00;
	v14 =	vxor.u32 $0x80000000, v22;
	v9 =	vmul.f32 $1.442695020e+00, v9  }
0xc8: {  	v18 =	vmul.f32 $1.442695020e+00, v10;
	v12 =	vadd.f32 v25, v16;
	v16 =	vsub.f32 $0.0e+00, v5  }
0xc9: {  	v10 =	vadd.f32 v32, v19;
	v19 =	vadd.f32 v20, v27;
	v5 =	vpop (erf);
	(erf) = vpow2.f32 v9  }
0xca: {  	v6 =	vadd.f32 $3.507552040e-06, v6;
	v16 =	vmul.f32 $1.442695020e+00, v16;
	v20 =	vmul.f32 $1.720806020e-02, v5  }
0xcb: {  	v22 =	vand.u32 $0x7FFFFFFF, v10;
	v9 =	vadd.f32 $3.507552040e-06, v24;
	v24 =	vand.u32 $0x7FFFFFFF, v12  }
0xcc: {  	v25 =	vpop (erf);
	(erf) = vpow2.f32 v16;
	v16 =	vsub.f32 $0.0e+00, v22;
	v29 =	vsub.f32 $8.172681180e-02, v20  }
0xcd: {  	v24 =	vsub.f32 $0.0e+00, v24;
	v20 =	vadd.f32 v9, v11;
	v11 =	vmul.f32 $1.720806020e-02, v25  }
0xce: {  	v9 =	vxor.u32 $0x80000000, v21;
	v16 =	vmul.f32 $1.442695020e+00, v16;
	v21 =	vmul.f32 v29, v5  }
0xcf: {  	v27 =	vand.u32 $0x7FFFFFFF, v19;
	v22 =	vmul.f32 $1.442695020e+00, v24;
	v11 =	vsub.f32 $8.172681180e-02, v11  }
0xd0: {  	v31 =	vadd.f32 v6, v63;
	(erf) = vpow2.f32 v18;
	v18 =	vadd.f32 $-1.887826770e-01, v21  }
0xd1: {  	(erf) = vpow2.f32 v22;
	v11 =	vmul.f32 v11, v25;
	v21 =	vadd.f32 $-4.969779250e-01, v23  }
0xd2: {  	v22 =	vsub.f32 $0.0e+00, v27;
	(erf) = vpow2.f32 v16;
	v6 =	vmul.f32 v18, v5;
	v16 =	vpop (erf)  }
0xd3: {  	v11 =	vadd.f32 $-1.887826770e-01, v11;
	v18 =	vmul.f32 v21, v15;
	v23 =	vmul.f32 $1.720806020e-02, v16  }
0xd4: {  	v21 =	vmul.f32 $1.442695020e+00, v22;
	v22 =	vadd.f32 v28, v1  }
0xd5: {  	s28 =	simm.s32 $0x2;
	s0 =	simm.s32 $0x9F20;
	v24 =	vadd.f32 $3.145905440e-01, v6;
	v11 =	vmul.f32 v11, v25;
	v27 =	vadd.f32 $9.997924560e-01, v18  }
0xd6: {  	s29 =	simm.s32 $0x100;
	s30 =	simm.s32 $0x4;
	s26 =	sand.u32 $0x1F80, s26;
	v32 =	vld [tilespmem:s0+$0xFFFFFFE0];
	(erf) = vpow2.f32 v21;
	v6 =	vadd.f32 v30, v22;
	v30 =	vsub.f32 $8.172681180e-02, v23  }
0xd7: {  	p1 =	por !p1, !p1;
	s23 =	sor.u32 s26, s25;
	s25 =	simm.s32 $0x9F60;
	v22 =	vld [tilespmem:s5+$0xB300];
	v18 =	vmul.f32 v24, v5;
	v34 =	vadd.f32 $3.145905440e-01, v11;
	v29 =	vmul.f32 v27, v15;
	v23 =	vpop (erf)  }
0xd8: {  	s24 =	sor.u32 s26, s6;
	s26 =	simm.s32 $0xB360;
	v24 =	vld [tilespmem:s31+$0xB300];
	s31 =	simm.s32 $0xA0;
	v15 =	vimm.f32 $0.0e+00;
	v11 =	vimm.f32 $0.0e+00;
	v33 =	vmul.f32 $1.720806020e-02, v23  }
.LBB2_2:
0xd9: {  	s3 =	simm.s32 $0x1  }
0xda: {  	s2 =	sand.u32 $0x3, s30;
	s15 =	sand.u32 $0x60, s31;
	v28 =	vmax.f32 v26, $0.0e+00;
	v27 =	vld [tilespmem:s24+$0x9F00];
	v21 =	vmul.f32 v30, v16;
	v26 =	vpop (erf);
	v35 =	vmax.f32 v2, $0.0e+00;
	s3 =	simm.s32 @!p1 $0x0  }
0xdb: {  	s16 =	sadd.s32 $0xFFFFFFE0, s31;
	s18 =	sand.u32 $0x3F00, s29;
	v17 =	vadd.f32 $-4.969779250e-01, v17;
	v41 =	vsub.f32 $8.172681180e-02, v33;
	v34 =	vmul.f32 v34, v25;
	s3 =	sshll.u32 s3, $0x6;
	v33 =	vpop (erf);
	v36 =	vld [tilespmem:s0+$0x0]  }
0xdc: {  	s0 =	sshll.u32 s2, $0x5;
	v44 =	vadd.f32 $-1.887826770e-01, v21;
	v39 =	vmul.f32 v31, v32;
	s2 =	sadd.s32 s3, s29;
	s3 =	sand.u32 $0x40, s16;
	v30 =	vld [tilespmem:s26+$0x0];
	v37 =	vmul.f32 $1.720806020e-02, v33;
	v38 =	vpop (erf)  }
0xdd: {  	v2 =	vmovc v19;
	s0 =	sadd.s32 s0, s29;
	v31 =	vmul.f32 v41, v23;
	v34 =	vadd.f32 $-4.969779250e-01, v34;
	s4 =	sor.u32 $0x10, s3;
	s20 =	sadd.s32 $0x10, s2;
	v32 =	vld [tilespmem:s26+$0xFFFFFFE0];
	v40 =	vmul.f32 $1.720806020e-02, v38  }
0xde: {  	v17 =	vmul.f32 v17, v3;
	s5 =	sor.u32 $0x80, s2;
	v41 =	vmul.f32 v44, v16;
	s17 =	sor.u32 s18, s4;
	s2 =	sor.u32 $0x80, s20;
	v19 =	vld [tilespmem:s23+$0x9F00];
	v37 =	vsub.f32 $8.172681180e-02, v37  }
0xdf: {  	s20 =	sor.u32 s3, s18;
	s3 =	sadd.s32 $0x20, s0;
	s0 =	sadd.s32 $0x30, s0;
	v43 =	vadd.f32 $-1.887826770e-01, v31;
	v34 =	vmul.f32 v34, v25;
	v42 =	vld [tilespmem:s5+$0x7700];
	v40 =	vsub.f32 $8.172681180e-02, v40;
	v21 =	vpop (erf)  }
0xe0: {  	s6 =	sor.u32 s18, s15;
	v17 =	vadd.f32 $9.997924560e-01, v17;
	s7 =	sor.u32 $0x80, s3;
	s3 =	sor.u32 $0x80, s0;
	v41 =	vadd.f32 $3.145905440e-01, v41;
	v31 =	vld [tilespmem:s17+$0x4F00];
	v37 =	vmul.f32 v37, v33  }
0xe1: {  	s28 =	sadd.s32 $0x2, s28;
	s0 =	sand.u32 $0x1F80, s16;
	v43 =	vmul.f32 v43, v23;
	v34 =	vadd.f32 $9.997924560e-01, v34;
	v44 =	vld [tilespmem:s5+$0x4F00];
	s5 =	sor.u32 $0x10, s15;
	v40 =	vmul.f32 v40, v38  }
0xe2: {  	v17 =	vmul.f32 v17, v3;
	v3 =	vmovc v38;
	s4 =	sor.u32 s0, s4;
	v41 =	vmul.f32 v41, v16;
	v45 =	vld [tilespmem:s6+$0x4F00];
	s18 =	sor.u32 s18, s5;
	s0 =	sor.u32 s0, s5;
	v37 =	vadd.f32 $-1.887826770e-01, v37  }
0xe3: {  	s16 =	smov.u32 s23;
	s15 =	smov.u32 s24;
	s24 =	smov.u32 s4;
	v43 =	vadd.f32 $3.145905440e-01, v43;
	v25 =	vmul.f32 v34, v25;
	v38 =	vld [tilespmem:s2+$0x7700];
	v40 =	vadd.f32 $-1.887826770e-01, v40  }
0xe4: {  	v17 =	vadd.f32 $3.507552040e-06, v17;
	v41 =	vadd.f32 $-4.969779250e-01, v41;
	s23 =	smov.u32 s0;
	s0 =	smov.u32 s25;
	v34 =	vld [tilespmem:s6+$0x7700];
	v37 =	vmul.f32 v37, v33  }
0xe5: {  	v1 =	vadd.f32 v8, v1;
	p2 =	slt.u32 s28, $0x9A;
	v43 =	vmul.f32 v43, v23;
	v25 =	vadd.f32 $3.507552040e-06, v25;
	v46 =	vld [tilespmem:s7+$0x4F00]  }
0xe6: {  	v13 =	vmax.f32 v13, $0.0e+00;
	v29 =	vadd.f32 $3.507552040e-06, v29;
	v8 =	vld [tilespmem:s7+$0x7700];
	v37 =	vadd.f32 $3.145905440e-01, v37  }
0xe7: {  	v20 =	vmul.f32 v20, v36;
	v43 =	vadd.f32 $-4.969779250e-01, v43;
	v13 =	vadd.f32 v25, v13;
	v47 =	vld [tilespmem:s2+$0x4F00]  }
0xe8: {  	v29 =	vadd.f32 v29, v35;
	v15 =	vadd.f32 v39, v15;
	v25 =	vld [tilespmem:s3+$0x7700];
	v36 =	vmul.f32 v37, v33  }
0xe9: {  	v1 =	vadd.f32 v7, v1;
	v37 =	vmul.f32 $1.720806020e-02, v26;
	v39 =	vmul.f32 v43, v23;
	v35 =	vld [tilespmem:s20+$0x7700]  }
0xea: {  	v15 =	vadd.f32 v20, v15;
	v43 =	vld [tilespmem:s3+$0x4F00];
	v7 =	vadd.f32 $-4.969779250e-01, v36;
	v36 =	vmax.f32 v0, $0.0e+00;
	v0 =	vmovc v10  }
0xeb: {  	v20 =	vsub.f32 $8.172681180e-02, v37;
	v37 =	vadd.f32 $9.997924560e-01, v39;
	v39 =	vmul.f32 v40, v3;
	v10 =	vld.idx.msk [tilespmem:v45+s1+$0x0], $0xffff  }
0xec: {  	v41 =	vmul.f32 v41, v16;
	v17 =	vadd.f32 v17, v36;
	v40 =	vld.idx.msk [tilespmem:v42+s14+$0x0], $0xffff;
	v7 =	vmul.f32 v7, v33  }
0xed: {  	v14 =	vmax.f32 v14, $0.0e+00;
	v23 =	vmul.f32 v37, v23;
	v37 =	vadd.f32 $3.145905440e-01, v39;
	v36 =	vld.idx.msk [tilespmem:v44+s14+$0x0], $0xffff  }
0xee: {  	v41 =	vadd.f32 $9.997924560e-01, v41;
	v24 =	vmul.f32 v17, v24;
	v39 =	vld [tilespmem:s20+$0x4F00];
	v7 =	vadd.f32 $9.997924560e-01, v7  }
0xef: {  	v20 =	vmul.f32 v20, v26;
	v23 =	vadd.f32 $3.507552040e-06, v23;
	v17 =	vmul.f32 v37, v3;
	v42 =	vld.idx.msk [tilespmem:v46+s14+$0x0], $0xffff  }
0xf0: {  	v22 =	vmul.f32 v29, v22;
	v11 =	vadd.f32 v24, v11;
	v37 =	vld [tilespmem:s17+$0x7700];
	v7 =	vmul.f32 v7, v33  }
0xf1: {  	v20 =	vadd.f32 $-1.887826770e-01, v20;
	v23 =	vadd.f32 v23, v28;
	v28 =	vmul.f32 $1.720806020e-02, v21;
	v24 =	vld.idx.msk [tilespmem:v34+s1+$0x0], $0xffff  }
0xf2: {  	v12 =	vxor.u32 $0x80000000, v12;
	v11 =	vadd.f32 v22, v11;
	v29 =	vld.idx.msk [tilespmem:v8+s14+$0x0], $0xffff;
	v33 =	vadd.f32 $3.507552040e-06, v7  }
0xf3: {  	v12 =	vmax.f32 v12, $0.0e+00;
	v20 =	vmul.f32 v20, v26;
	v8 =	vmul.f32 v23, v32;
	v22 =	vld [tilespmem:s18+$0x7700]  }
0xf4: {  	v7 =	vmul.f32 v13, v30;
	v13 =	vsub.f32 $8.172681180e-02, v28;
	v23 =	vld [tilespmem:s18+$0x4F00];
	v12 =	vadd.f32 v33, v12  }
0xf5: {  	v16 =	vmul.f32 v41, v16;
	v20 =	vadd.f32 $3.145905440e-01, v20;
	v10 =	vadd.f32 v42, v10;
	v28 =	vld.idx.msk [tilespmem:v38+s14+$0x0], $0xffff  }
0xf6: {  	v32 =	vmax.f32 v4, $0.0e+00;
	v33 =	vmul.f32 v13, v21;
	v30 =	vld.idx.msk [tilespmem:v39+s1+$0x0], $0xffff;
	v34 =	vmul.f32 v12, v19  }
0xf7: {  	v16 =	vadd.f32 $3.507552040e-06, v16;
	v20 =	vmul.f32 v20, v26;
	v12 =	vand.u32 $0x7FFFFFFF, v10;
	v19 =	vld.idx.msk [tilespmem:v25+s14+$0x0], $0xffff  }
0xf8: {  	v4 =	vxor.u32 $0x80000000, v10;
	v13 =	vadd.f32 v29, v24;
	v10 =	vsub.f32 $0.0e+00, v12;
	v25 =	vld.idx.msk [tilespmem:v47+s14+$0x0], $0xffff  }
0xf9: {  	v14 =	vadd.f32 v16, v14;
	v24 =	vmax.f32 v9, $0.0e+00;
	v9 =	vadd.f32 $-4.969779250e-01, v20;
	v12 =	vld.idx.msk [tilespmem:v31+s1+$0x0], $0xffff  }
0xfa: {  	v29 =	vadd.f32 $-1.887826770e-01, v33;
	v10 =	vmul.f32 $1.442695020e+00, v10;
	v16 =	vand.u32 $0x7FFFFFFF, v13;
	v20 =	vld.idx.msk [tilespmem:v43+s14+$0x0], $0xffff  }
0xfb: {  	v18 =	vadd.f32 $-4.969779250e-01, v18;
	v9 =	vmul.f32 v9, v26;
	v16 =	vsub.f32 $0.0e+00, v16;
	v31 =	vld.idx.msk [tilespmem:v37+s1+$0x0], $0xffff  }
0xfc: {  	v30 =	vadd.f32 v36, v30;
	v33 =	vld.idx.msk [tilespmem:v35+s1+$0x0], $0xffff;
	(erf) = vpow2.f32 v10;
	v10 =	vmul.f32 v29, v21  }
0xfd: {  	v18 =	vmul.f32 v18, v5;
	v9 =	vadd.f32 $9.997924560e-01, v9;
	v16 =	vmul.f32 $1.442695020e+00, v16;
	v22 =	vld.idx.msk [tilespmem:v22+s1+$0x0], $0xffff  }
0xfe: {  	v27 =	vmul.f32 v14, v27;
	v29 =	vand.u32 $0x7FFFFFFF, v30;
	v23 =	vld.idx.msk [tilespmem:v23+s1+$0x0], $0xffff;
	v10 =	vadd.f32 $3.145905440e-01, v10  }
0xff: {  	v14 =	vsub.f32 $0.0e+00, v29;
	v12 =	vadd.f32 v25, v12;
	(erf) = vpow2.f32 v16  }
0x100: {  	v16 =	vmul.f32 v9, v26;
	v9 =	vadd.f32 $9.997924560e-01, v18;
	v18 =	vmul.f32 v10, v21  }
0x101: {  	v29 =	vmul.f32 $1.442695020e+00, v14;
	v10 =	vadd.f32 v28, v31;
	v14 =	vand.u32 $0x7FFFFFFF, v12  }
0x102: {  	v26 =	vadd.f32 v40, v33;
	v25 =	vsub.f32 $0.0e+00, v14;
	v9 =	vmul.f32 v9, v5  }
0x103: {  	v14 =	vxor.u32 $0x80000000, v12;
	v28 =	vand.u32 $0x7FFFFFFF, v10;
	v19 =	vadd.f32 v19, v22  }
0x104: {  	v31 =	vand.u32 $0x7FFFFFFF, v26;
	v22 =	vmul.f32 $1.442695020e+00, v25;
	v12 =	vadd.f32 v20, v23  }
0x105: {  	v9 =	vadd.f32 $3.507552040e-06, v9;
	v20 =	vsub.f32 $0.0e+00, v31;
	v23 =	vand.u32 $0x7FFFFFFF, v19;
	v5 =	vpop (erf)  }
0x106: {  	v31 =	vand.u32 $0x7FFFFFFF, v12;
	v33 =	vmul.f32 $1.720806020e-02, v5;
	(erf) = vpow2.f32 v22  }
0x107: {  	v22 =	vmul.f32 $1.442695020e+00, v20;
	v31 =	vsub.f32 $0.0e+00, v31;
	v20 =	vadd.f32 v9, v32  }
0x108: {  	v28 =	vsub.f32 $0.0e+00, v28;
	v9 =	vxor.u32 $0x80000000, v30;
	v30 =	vsub.f32 $8.172681180e-02, v33;
	v25 =	vpop (erf)  }
0x109: {  	v16 =	vadd.f32 $3.507552040e-06, v16;
	v32 =	vmul.f32 $1.720806020e-02, v25;
	(erf) = vpow2.f32 v22  }
0x10a: {  	v23 =	vsub.f32 $0.0e+00, v23;
	v22 =	vmul.f32 v30, v5;
	v30 =	vmul.f32 $1.442695020e+00, v31  }
0x10b: {  	v28 =	vmul.f32 $1.442695020e+00, v28;
	v32 =	vsub.f32 $8.172681180e-02, v32;
	(erf) = vpow2.f32 v29  }
0x10c: {  	v31 =	vadd.f32 v16, v24;
	v22 =	vadd.f32 $-1.887826770e-01, v22;
	(erf) = vpow2.f32 v30  }
0x10d: {  	v18 =	vadd.f32 $-4.969779250e-01, v18;
	v29 =	vmul.f32 v32, v25;
	(erf) = vpow2.f32 v28  }
0x10e: {  	v6 =	vadd.f32 v27, v6;
	v23 =	vmul.f32 $1.442695020e+00, v23;
	v22 =	vmul.f32 v22, v5  }
.Ltmp2:
0x10f: {  	v18 =	vmul.f32 v18, v21;
	v24 =	vadd.f32 $-1.887826770e-01, v29;
	v16 =	vpop (erf);
	(pc) =	sbr.rel @p2 .LBB2_2-.Ltmp2, $4  }
0x110: {  	v27 =	vmul.f32 $1.720806020e-02, v16;
	v22 =	vadd.f32 $3.145905440e-01, v22;
	(erf) = vpow2.f32 v23  }
0x111: {  	v6 =	vadd.f32 v34, v6;
	v28 =	vadd.f32 $9.997924560e-01, v18;
	v24 =	vmul.f32 v24, v25;
	v32 =	vld [tilespmem:s25+$0xFFFFFFE0]  }
0x112: {  	s29 =	sadd.s32 $0x80, s29;
	s26 =	sadd.s32 $0x40, s26;
	s25 =	sadd.s32 $0x40, s25;
	v30 =	vsub.f32 $8.172681180e-02, v27;
	v18 =	vmul.f32 v22, v5;
	v23 =	vpop (erf);
	v22 =	vld [tilespmem:s16+$0xB300]  }
0x113: {  	s30 =	sadd.s32 $0x2, s30;
	s31 =	sadd.s32 $0x40, s31;
	p1 =	por !p1, !p1;
	v29 =	vmul.f32 v28, v21;
	v33 =	vmul.f32 $1.720806020e-02, v23;
	v34 =	vadd.f32 $3.145905440e-01, v24;
	v24 =	vld [tilespmem:s15+$0xB300]  }
0x114: {  	v21 =	vmax.f32 v26, $0.0e+00;
	v58 =	vmul.f32 v30, v16;
	v2 =	vmax.f32 v2, $0.0e+00  }
0x115: {  	v17 =	vadd.f32 $-4.969779250e-01, v17;
	v1 =	vadd.f32 v8, v1;
	v38 =	vmax.f32 v13, $0.0e+00  }
0x116: {  	v27 =	vpop (erf);
	v0 =	vmax.f32 v0, $0.0e+00;
	v14 =	vmax.f32 v14, $0.0e+00;
	v12 =	vxor.u32 $0x80000000, v12  }
0x117: {  	v18 =	vadd.f32 $-4.969779250e-01, v18;
	v4 =	vmax.f32 v4, $0.0e+00;
	v9 =	vmax.f32 v9, $0.0e+00;
	v60 =	vpop (erf)  }
0x118: {  	v10 =	vmax.f32 v10, $0.0e+00;
	v59 =	vmul.f32 v34, v25;
	v61 =	vmul.f32 $1.720806020e-02, v60  }
0x119: {  	v28 =	vsub.f32 $8.172681180e-02, v33;
	v29 =	vadd.f32 $3.507552040e-06, v29;
	v40 =	vmul.f32 $1.720806020e-02, v27  }
0x11a: {  	v12 =	vmax.f32 v12, $0.0e+00;
	v30 =	vadd.f32 $-4.969779250e-01, v59;
	v34 =	vsub.f32 $8.172681180e-02, v61  }
0x11b: {  	v26 =	vadd.f32 $-1.887826770e-01, v58;
	v31 =	vmul.f32 v31, v32;
	v17 =	vmul.f32 v17, v3  }
0x11c: {  	v1 =	vadd.f32 v7, v1;
	v30 =	vmul.f32 v30, v25;
	v34 =	vmul.f32 v34, v60  }
0x11d: {  	v63 =	vld [tilespmem:s0+$0x0];
	v35 =	vpop (erf);
	v55 =	vmul.f32 v18, v5;
	v28 =	vmul.f32 v28, v23;
	v2 =	vadd.f32 v29, v2  }
0x11e: {  	v62 =	vmul.f32 $1.720806020e-02, v35;
	v30 =	vadd.f32 $9.997924560e-01, v30;
	v34 =	vadd.f32 $-1.887826770e-01, v34  }
0x11f: {  	v26 =	vmul.f32 v26, v16;
	v17 =	vadd.f32 $9.997924560e-01, v17;
	v15 =	vadd.f32 v31, v15  }
0x120: {  	v28 =	vadd.f32 $-1.887826770e-01, v28;
	v36 =	vmul.f32 v30, v25;
	v37 =	vmul.f32 v34, v60  }
0x121: {  	v32 =	vsub.f32 $8.172681180e-02, v62;
	v2 =	vmul.f32 v2, v22;
	v3 =	vmul.f32 v17, v3  }
0x122: {  	v41 =	vpop (erf);
	v17 =	vmul.f32 v20, v63;
	v25 =	vadd.f32 $3.507552040e-06, v36;
	v39 =	vadd.f32 $3.145905440e-01, v37  }
0x123: {  	v26 =	vadd.f32 $3.145905440e-01, v26;
	v43 =	vmul.f32 $1.720806020e-02, v41;
	v28 =	vmul.f32 v28, v23  }
0x124: {  	v8 =	vadd.f32 v25, v38;
	v25 =	vsub.f32 $8.172681180e-02, v40;
	v13 =	vmul.f32 v39, v60  }
0x125: {  	v32 =	vmul.f32 v32, v35;
	v3 =	vadd.f32 $3.507552040e-06, v3;
	v15 =	vadd.f32 v17, v15  }
0x126: {  	v44 =	vmul.f32 v25, v27;
	v42 =	vadd.f32 $-4.969779250e-01, v13;
	v13 =	vsub.f32 $8.172681180e-02, v43  }
0x127: {  	v26 =	vmul.f32 v26, v16;
	v28 =	vadd.f32 $3.145905440e-01, v28;
	v32 =	vadd.f32 $-1.887826770e-01, v32  }
0x128: {  	v0 =	vadd.f32 v3, v0;
	v17 =	vadd.f32 $-1.887826770e-01, v44;
	v13 =	vmul.f32 v13, v41  }
0x129: {  	v26 =	vadd.f32 $-4.969779250e-01, v26;
	v28 =	vmul.f32 v28, v23;
	v46 =	vmul.f32 v32, v35  }
0x12a: {  	v0 =	vmul.f32 v0, v24;
	v17 =	vmul.f32 v17, v27;
	v13 =	vadd.f32 $-1.887826770e-01, v13  }
0x12b: {  	v26 =	vmul.f32 v26, v16;
	v28 =	vadd.f32 $-4.969779250e-01, v28;
	v47 =	vadd.f32 $3.145905440e-01, v46  }
0x12c: {  	v0 =	vadd.f32 v0, v11;
	v17 =	vadd.f32 $3.145905440e-01, v17;
	v50 =	vmul.f32 v13, v41  }
0x12d: {  	v48 =	vadd.f32 $9.997924560e-01, v26;
	v52 =	vmul.f32 v47, v35;
	v7 =	vmul.f32 v42, v60  }
0x12e: {  	v51 =	vld [tilespmem:s26+$0x0];
	v0 =	vadd.f32 v2, v0;
	v17 =	vmul.f32 v17, v27;
	v11 =	vadd.f32 $3.145905440e-01, v50  }
0x12f: {  	v28 =	vmul.f32 v28, v23;
	v53 =	vadd.f32 $-4.969779250e-01, v52;
	v7 =	vadd.f32 $9.997924560e-01, v7  }
0x130: {  	v57 =	vmul.f32 v48, v16;
	v2 =	vadd.f32 $-4.969779250e-01, v17;
	v11 =	vmul.f32 v11, v41  }
0x131: {  	v45 =	vadd.f32 $9.997924560e-01, v28;
	v54 =	vmul.f32 v53, v35;
	v7 =	vmul.f32 v7, v60  }
0x132: {  	v16 =	vadd.f32 $3.507552040e-06, v57;
	v2 =	vmul.f32 v2, v27;
	v11 =	vadd.f32 $-4.969779250e-01, v11  }
0x133: {  	v49 =	vld [tilespmem:s26+$0xFFFFFFE0];
	v8 =	vmul.f32 v8, v51;
	v13 =	vadd.f32 $9.997924560e-01, v54;
	v7 =	vadd.f32 $3.507552040e-06, v7  }
0x134: {  	v56 =	vld [tilespmem:s24+$0x9F00];
	v3 =	vmul.f32 v45, v23;
	v2 =	vadd.f32 $9.997924560e-01, v2;
	v11 =	vmul.f32 v11, v41  }
0x135: {  	v58 =	vld [tilespmem:s23+$0x9F00];
	v13 =	vmul.f32 v13, v35;
	v7 =	vadd.f32 v7, v12;
	v12 =	vadd.f32 $9.997924560e-01, v55  }
0x136: {  	v3 =	vadd.f32 $3.507552040e-06, v3;
	v60 =	vld [tilespmem:s24+$0xB300];
	v2 =	vmul.f32 v2, v27;
	v11 =	vadd.f32 $9.997924560e-01, v11  }
0x137: {  	v59 =	vld [tilespmem:s25+$0xFFFFFFE0];
	v14 =	vadd.f32 v16, v14;
	v13 =	vadd.f32 $3.507552040e-06, v13;
	v5 =	vmul.f32 v12, v5  }
0x138: {  	v61 =	vld [tilespmem:s25+$0x0];
	v3 =	vadd.f32 v3, v21;
	v2 =	vadd.f32 $3.507552040e-06, v2;
	v11 =	vmul.f32 v11, v41  }
0x139: {  	v62 =	vld [tilespmem:s23+$0xB300];
	v63 =	vmul.f32 v14, v56;
	v10 =	vadd.f32 v13, v10;
	v5 =	vadd.f32 $3.507552040e-06, v5  }
0x13a: {  	v3 =	vmul.f32 v3, v49;
	v2 =	vadd.f32 v2, v9;
	v11 =	vadd.f32 $3.507552040e-06, v11  }
0x13b: {  	v10 =	vmul.f32 v10, v60;
	v4 =	vadd.f32 v5, v4;
	v5 =	vmax.f32 v19, $0.0e+00  }
.Ltmp3:
0x13c: {  	v6 =	vadd.f32 v63, v6;
	v2 =	vmul.f32 v2, v59;
	v5 =	vadd.f32 v11, v5;
	(pc) =	sbr.rel @p0 .LBB2_7-.Ltmp3, $4  }
0x13d: {  	v1 =	vadd.f32 v3, v1;
	v7 =	vmul.f32 v7, v58;
	v10 =	vadd.f32 v10, v0  }
0x13e: {  	v4 =	vmul.f32 v4, v61;
	v2 =	vadd.f32 v2, v15;
	v5 =	vmul.f32 v5, v62  }
0x13f: {  	v3 =	vadd.f32 v7, v6;
	v0 =	vadd.f32 v8, v1  }
0x140: {  	v1 =	vadd.f32 v4, v2;
	v2 =	vadd.f32 v5, v10  }
0x141: {  	s0 =	simm.s32 $0x2700  }
0x142: {  	s0 =	sand.u32 $0x3FFFFF00, s0  }
0x143: {  	s0 =	sadd.s32 $0x0, s0  }
0x144: {  	v4 =	vld [tilespmem:s0+$0x4F90]  }
0x145: {  	v5 =	vld [tilespmem:s0+$0x7780]  }
0x146: {  	v6 =	vld [tilespmem:s0+$0x7790]  }
0x147: {  	v7 =	vld [tilespmem:s0+$0x4F10]  }
0x148: {  	v8 =	vld [tilespmem:s0+$0x7710]  }
0x149: {  	v9 =	vld [tilespmem:s0+$0x4F80]  }
0x14a: {  	v10 =	vld [tilespmem:s0+$0x4F00]  }
0x14b: {  	v11 =	vld [tilespmem:s0+$0x7700]  }
0x14c: {  	v4 =	vld.idx.msk [tilespmem:v4+s14+$0x0], $0xffff  }
0x14d: {  	v12 =	vld.idx.msk [tilespmem:v5+s14+$0x0], $0xffff  }
0x14e: {  	v5 =	vld.idx.msk [tilespmem:v6+s14+$0x0], $0xffff  }
0x14f: {  	v6 =	vld.idx.msk [tilespmem:v7+s1+$0x0], $0xffff  }
0x150: {  	v7 =	vld.idx.msk [tilespmem:v8+s1+$0x0], $0xffff  }
0x151: {  	v8 =	vld.idx.msk [tilespmem:v9+s14+$0x0], $0xffff  }
0x152: {  	v9 =	vld.idx.msk [tilespmem:v10+s1+$0x0], $0xffff  }
0x153: {  	v10 =	vld.idx.msk [tilespmem:v11+s1+$0x0], $0xffff;
	_ =	sdelay $0x1  }
0x154: {  	v5 =	vadd.f32 v5, v7  }
0x155: {  	v7 =	vadd.f32 v4, v6  }
0x156: {  	v9 =	vadd.f32 v8, v9;
	v6 =	vand.u32 $0x7FFFFFFF, v5  }
0x157: {  	v4 =	vadd.f32 v12, v10;
	v8 =	vand.u32 $0x7FFFFFFF, v7;
	v6 =	vsub.f32 $0.0e+00, v6  }
0x158: {  	v10 =	vand.u32 $0x7FFFFFFF, v9;
	v8 =	vsub.f32 $0.0e+00, v8  }
0x159: {  	s31 =	simm.s32 $0x2740;
	v11 =	vand.u32 $0x7FFFFFFF, v4;
	v10 =	vsub.f32 $0.0e+00, v10;
	v6 =	vmul.f32 $1.442695020e+00, v6  }
0x15a: {  	s0 =	sand.u32 $0x3FFFFF00, s31;
	v11 =	vsub.f32 $0.0e+00, v11;
	v8 =	vmul.f32 $1.442695020e+00, v8  }
0x15b: {  	s0 =	sadd.s32 $0x20, s0;
	v10 =	vmul.f32 $1.442695020e+00, v10;
	(erf) = vpow2.f32 v6  }
0x15c: {  	v15 =	vld [tilespmem:s0+$0x7710];
	v6 =	vmul.f32 $1.442695020e+00, v11;
	(erf) = vpow2.f32 v8  }
0x15d: {  	v11 =	vld [tilespmem:s0+$0x7790];
	(erf) = vpow2.f32 v10  }
0x15e: {  	(erf) = vpow2.f32 v6  }
0x15f: {  	v6 =	vld [tilespmem:s0+$0x4F90]  }
0x160: {  	v14 =	vld [tilespmem:s0+$0x4F10]  }
0x161: {  	v16 =	vld [tilespmem:s0+$0x7780]  }
0x162: {  	v17 =	vld [tilespmem:s0+$0x7700]  }
0x163: {  	v20 =	vld [tilespmem:s0+$0x4F80]  }
0x164: {  	v15 =	vld.idx.msk [tilespmem:v15+s1+$0x0], $0xffff;
	v10 =	vpop (erf)  }
0x165: {  	v11 =	vld.idx.msk [tilespmem:v11+s14+$0x0], $0xffff;
	v13 =	vpop (erf);
	v19 =	vmul.f32 $1.720806020e-02, v10  }
0x166: {  	v18 =	vld [tilespmem:s0+$0x4F00];
	v12 =	vpop (erf)  }
0x167: {  	v21 =	vmul.f32 $1.720806020e-02, v13;
	v22 =	vld.idx.msk [tilespmem:v6+s14+$0x0], $0xffff;
	v8 =	vpop (erf);
	v6 =	vsub.f32 $8.172681180e-02, v19;
	v23 =	vmul.f32 $1.720806020e-02, v12  }
0x168: {  	v19 =	vmul.f32 $1.720806020e-02, v8  }
0x169: {  	v14 =	vld.idx.msk [tilespmem:v14+s1+$0x0], $0xffff;
	v21 =	vsub.f32 $8.172681180e-02, v21;
	v6 =	vmul.f32 v6, v10;
	v23 =	vsub.f32 $8.172681180e-02, v23  }
0x16a: {  	v16 =	vld.idx.msk [tilespmem:v16+s14+$0x0], $0xffff;
	v11 =	vadd.f32 v11, v15;
	v19 =	vsub.f32 $8.172681180e-02, v19  }
0x16b: {  	v17 =	vld.idx.msk [tilespmem:v17+s1+$0x0], $0xffff;
	v21 =	vmul.f32 v21, v13;
	v24 =	vadd.f32 $-1.887826770e-01, v6;
	v23 =	vmul.f32 v23, v12  }
0x16c: {  	v6 =	vxor.u32 $0x80000000, v9;
	v9 =	vxor.u32 $0x80000000, v7;
	v19 =	vmul.f32 v19, v8  }
0x16d: {  	v20 =	vld.idx.msk [tilespmem:v20+s14+$0x0], $0xffff;
	v21 =	vadd.f32 $-1.887826770e-01, v21;
	v7 =	vmul.f32 v24, v10;
	v23 =	vadd.f32 $-1.887826770e-01, v23  }
0x16e: {  	v18 =	vld.idx.msk [tilespmem:v18+s1+$0x0], $0xffff;
	v14 =	vadd.f32 v22, v14;
	v19 =	vadd.f32 $-1.887826770e-01, v19  }
0x16f: {  	v21 =	vmul.f32 v21, v13;
	v22 =	vadd.f32 $3.145905440e-01, v7;
	v23 =	vmul.f32 v23, v12  }
0x170: {  	v7 =	vadd.f32 v16, v17;
	v16 =	vand.u32 $0x7FFFFFFF, v11;
	v15 =	vmul.f32 v19, v8  }
0x171: {  	v19 =	vand.u32 $0x7FFFFFFF, v14;
	v21 =	vadd.f32 $3.145905440e-01, v21;
	v62 =	vsub.f32 $0.0e+00, v16  }
0x172: {  	v17 =	vsub.f32 $0.0e+00, v19;
	v19 =	vadd.f32 $3.145905440e-01, v23;
	v22 =	vmul.f32 v22, v10  }
0x173: {  	v16 =	vadd.f32 v20, v18;
	v23 =	vand.u32 $0x7FFFFFFF, v7;
	v21 =	vmul.f32 v21, v13  }
0x174: {  	v15 =	vadd.f32 $3.145905440e-01, v15;
	v20 =	vmul.f32 v19, v12;
	v18 =	vadd.f32 $-4.969779250e-01, v22  }
0x175: {  	s16 =	simm.s32 $0x1380;
	v22 =	vsub.f32 $0.0e+00, v23;
	v23 =	vand.u32 $0x7FFFFFFF, v16;
	v63 =	vadd.f32 $-4.969779250e-01, v21  }
0x176: {  	s23 =	simm.s32 $0x0;
	s15 =	simm.s32 $0x2780;
	s24 =	simm.s32 $0x13A0;
	v19 =	vmul.f32 $1.442695020e+00, v62;
	v21 =	vmul.f32 $1.442695020e+00, v17;
	v23 =	vsub.f32 $0.0e+00, v23  }
0x177: {  	s3 =	simm.s32 $0x100;
	s2 =	sand.u32 $0x3FFFFF80, s16;
	s0 =	simm.s32 $0x20;
	v20 =	vadd.f32 $-4.969779250e-01, v20;
	v17 =	vmul.f32 $1.442695020e+00, v22;
	v22 =	vmul.f32 v63, v13  }
.LBB2_5:
0x178: {  	s4 =	sshra.s32 s3, $0x2;
	s5 =	sand.u32 $0x3FFFFF00, s15  }
0x179: {  	v16 =	vxor.u32 $0x80000000, v16;
	v24 =	vld [tilespmem:s23+$0xC680];
	v15 =	vmul.f32 v15, v8;
	v18 =	vmul.f32 v18, v10;
	s6 =	smov.u32 s3;
	s16 =	sadd.s32 $0x80, s3;
	p1 =	seq.s32 s3, $0x180  }
0x17a: {  	v23 =	vmul.f32 $1.442695020e+00, v23;
	s2 =	sadd.s32 s23, s2;
	v22 =	vadd.f32 $9.997924560e-01, v22;
	s5 =	sadd.s32 s4, s5;
	(erf) = vpow2.f32 v19;
	v19 =	vld [tilespmem:s23+$0xB280]  }
0x17b: {  	v20 =	vmul.f32 v20, v12;
	s23 =	smov.u32 s0;
	s0 =	smov.u32 s4;
	(erf) = vpow2.f32 v21;
	v21 =	vld [tilespmem:s2+$0x9F10];
	v18 =	vadd.f32 $9.997924560e-01, v18  }
0x17c: {  	v15 =	vadd.f32 $-4.969779250e-01, v15;
	v13 =	vmul.f32 v22, v13;
	(erf) = vpow2.f32 v23;
	v23 =	vld [tilespmem:s2+$0xB310]  }
0x17d: {  	v22 =	vld [tilespmem:s5+$0x4F90];
	(erf) = vpow2.f32 v17;
	v17 =	vadd.f32 $9.997924560e-01, v20;
	v10 =	vmul.f32 v18, v10  }
0x17e: {  	v14 =	vxor.u32 $0x80000000, v14;
	v15 =	vmul.f32 v15, v8;
	v13 =	vadd.f32 $3.507552040e-06, v13;
	v18 =	vld [tilespmem:s5+$0x7780]  }
0x17f: {  	v25 =	vmax.f32 v9, $0.0e+00;
	v26 =	vmax.f32 v5, $0.0e+00;
	v5 =	vmovc v11;
	v9 =	vmovc v14;
	v20 =	vld [tilespmem:s5+$0x7790];
	v10 =	vadd.f32 $3.507552040e-06, v10  }
0x180: {  	v12 =	vmul.f32 v17, v12;
	v14 =	vadd.f32 $9.997924560e-01, v15;
	v13 =	vadd.f32 v13, v25;
	v11 =	vld [tilespmem:s5+$0x4F10]  }
0x181: {  	v17 =	vmax.f32 v6, $0.0e+00;
	v6 =	vmov v16;
	v15 =	vld [tilespmem:s5+$0x7710];
	v25 =	vadd.f32 v10, v26  }
0x182: {  	v8 =	vmul.f32 v14, v8;
	v14 =	vmul.f32 v13, v21;
	v16 =	vld [tilespmem:s5+$0x7700]  }
0x183: {  	v4 =	vmax.f32 v4, $0.0e+00;
	v26 =	vadd.f32 $3.507552040e-06, v12;
	v21 =	vld [tilespmem:s5+$0x4F00];
	v10 =	vpop (erf);
	v23 =	vmul.f32 v25, v23  }
0x184: {  	v28 =	vadd.f32 $3.507552040e-06, v8;
	v3 =	vadd.f32 v14, v3;
	v25 =	vld [tilespmem:s5+$0x4F80];
	v27 =	vmul.f32 $1.720806020e-02, v10;
	v13 =	vpop (erf)  }
0x185: {  	v17 =	vadd.f32 v26, v17;
	v14 =	vld.idx.msk [tilespmem:v22+s14+$0x0], $0xffff;
	v22 =	vmul.f32 $1.720806020e-02, v13;
	v12 =	vpop (erf);
	v2 =	vadd.f32 v23, v2  }
0x186: {  	v18 =	vld.idx.msk [tilespmem:v18+s14+$0x0], $0xffff;
	v23 =	vmul.f32 $1.720806020e-02, v12;
	v26 =	vsub.f32 $8.172681180e-02, v27;
	v8 =	vpop (erf);
	v27 =	vadd.f32 v28, v4  }
0x187: {  	v17 =	vmul.f32 v17, v19;
	v4 =	vmovc v7;
	v20 =	vld.idx.msk [tilespmem:v20+s14+$0x0], $0xffff;
	v28 =	vmul.f32 $1.720806020e-02, v8;
	v22 =	vsub.f32 $8.172681180e-02, v22  }
0x188: {  	v7 =	vld.idx.msk [tilespmem:v11+s1+$0x0], $0xffff;
	v11 =	vsub.f32 $8.172681180e-02, v23;
	v19 =	vmul.f32 v26, v10;
	v23 =	vmul.f32 v27, v24  }
0x189: {  	v1 =	vadd.f32 v17, v1;
	v15 =	vld.idx.msk [tilespmem:v15+s1+$0x0], $0xffff;
	v24 =	vsub.f32 $8.172681180e-02, v28;
	v22 =	vmul.f32 v22, v13  }
0x18a: {  	v11 =	vmul.f32 v11, v12;
	v17 =	vadd.f32 $-1.887826770e-01, v19;
	v0 =	vadd.f32 v23, v0  }
0x18b: {  	v16 =	vld.idx.msk [tilespmem:v16+s1+$0x0], $0xffff;
	v19 =	vmul.f32 v24, v8;
	v22 =	vadd.f32 $-1.887826770e-01, v22  }
0x18c: {  	v23 =	vadd.f32 $-1.887826770e-01, v11;
	v11 =	vmul.f32 v17, v10  }
0x18d: {  	v17 =	vld.idx.msk [tilespmem:v25+s14+$0x0], $0xffff;
	v19 =	vadd.f32 $-1.887826770e-01, v19;
	v22 =	vmul.f32 v22, v13  }
0x18e: {  	v14 =	vadd.f32 v14, v7;
	v21 =	vld.idx.msk [tilespmem:v21+s1+$0x0], $0xffff;
	v24 =	vadd.f32 $3.145905440e-01, v11  }
0x18f: {  	v11 =	vadd.f32 v20, v15;
	v15 =	vmul.f32 v19, v8  }
0x190: {  	v20 =	vmul.f32 v23, v12;
	v19 =	vand.u32 $0x7FFFFFFF, v14;
	v22 =	vadd.f32 $3.145905440e-01, v22  }
0x191: {  	v7 =	vadd.f32 v18, v16;
	v23 =	vsub.f32 $0.0e+00, v19;
	v16 =	vand.u32 $0x7FFFFFFF, v11  }
0x192: {  	v18 =	vadd.f32 $3.145905440e-01, v20;
	v19 =	vmul.f32 v24, v10;
	v15 =	vadd.f32 $3.145905440e-01, v15  }
.Ltmp4:
0x193: {  	v24 =	vsub.f32 $0.0e+00, v16;
	v22 =	vmul.f32 v22, v13;
	v20 =	vand.u32 $0x7FFFFFFF, v7;
	(pc) =	sbr.rel @!p1 .LBB2_5-.Ltmp4, $4  }
0x194: {  	v16 =	vadd.f32 v17, v21;
	v17 =	vmul.f32 v18, v12;
	v18 =	vadd.f32 $-4.969779250e-01, v19  }
0x195: {  	v25 =	vsub.f32 $0.0e+00, v20;
	v19 =	vmul.f32 $1.442695020e+00, v24;
	v22 =	vadd.f32 $-4.969779250e-01, v22  }
0x196: {  	s15 =	sadd.s32 $0x40, s15;
	v21 =	vmul.f32 $1.442695020e+00, v23;
	v24 =	vand.u32 $0x7FFFFFFF, v16;
	v20 =	vadd.f32 $-4.969779250e-01, v17  }
0x197: {  	s3 =	smov.u32 s16;
	s2 =	sand.u32 $0x3FFFFF80, s24;
	s24 =	sadd.s32 $0x20, s24;
	v17 =	vmul.f32 $1.442695020e+00, v25;
	v22 =	vmul.f32 v22, v13;
	v23 =	vsub.f32 $0.0e+00, v24  }
.Ltmp5:
0x198: {  	_ = 	snop;
	(pc) =	sbr.rel .LBB2_6-.Ltmp5, $1  }
0x199: {  	_ =	sdelay $0x3  }
.LBB2_8:
0x19a: {  	_ =	sfence.sel $0x180000  }
0x19b: {  	[bflag:$0x0] =	sbarrier.arrive $0xFFFF  }
0x19c: {  	_ =	strace $0x90000047  }
0x19d: {  	[bflag:$0x2] =	sbarrier.arrive $0xFFFF  }
0x19e: {  	s0 =	rddreg [dreg:$0x3]  }
0x19f: {  	s0 =	sadd.s32 @!p0 $0x100000, s0  }
0x1a0: {  	[sflag:s0] =	ssyncadd.tile.s32 @!p0 $0x1;
	_ =	shalt  }
.Lfunc_end2:
_tile_overlayer_lowered:
.L_overlay_start_2:
0x1a1: {  	(tag) =	ssettag $0x2  }
0x1a2: {  	s0 =	rddreg [dreg:$0x0];
	s2 =	stileid.u32  }
0x1a3: {  	s1 =	rddreg [dreg:$0x1];
	p0 =	sne.s32 s2, $0x0  }
0x1a4: {  	s3 =	rddreg [dreg:$0x2];
	[bflag:$0x3] =	sbarrier.arrive $0xFFFF;
	s2 =	simm.s32 @!p0 $0x1C02  }
0x1a5: {  	[timem:s3], [sflag:s2] =	dma.local @!p0 [hbm:s0], s1  }
0x1a6: {  	s0 =	simm.s32 @!p0 $0x2  }
0x1a7: {  	_ =	swait.ge @!p0 [sflag:s0], s1  }
0x1a8: {  	s1 =	ssub.s32 @!p0 $0x0, s1;
	[sflag:s0] =	ssyncset.done @!p0 $0x0  }
0x1a9: {  	[sflag:s0] =	ssyncadd.s32 @!p0 s1  }
0x1aa: {  	[bflag:$0x3] =	sbarrier.arrive $0xFFFF  }
0x1ab: {  	_ =	shalt  }

</sc_bundles>
